<compile_context>
chip_gen: v7x
topology: tpu7x:2x2x1
jax: 0.10.2.dev20260603
libtpu: 0.0.44.dev20260713+nightly
codegen_flags: <defaults>
</compile_context>

<pallas_src>
import jax
import jax.numpy as jnp
from jax import lax
from jax.experimental import pallas as pl
from jax.experimental.pallas import tpu as pltpu
from jax.experimental.pallas import tpu_sc as plsc

NUM_CLASS = 100000
CTX_DIM = 512
N_CLS_CTX = 8
BATCH = 1024
SEQ_LEN = 77

NUM_CORES = 2
NUM_SUBCORES = 16
NUM_WORKERS = NUM_CORES * NUM_SUBCORES
BPW = BATCH // NUM_WORKERS
K = 8
NCHUNK = BPW // K
NTAIL = SEQ_LEN - 16
LANES = CTX_DIM // 16


def _sc_body(label_h, cls_h, pre_h, suf_h, fin_h, out_h, idx_v, head_v, z_v,
             rows_v, fix_v, gsem, hsem, zsem):
    wid = lax.axis_index("s") * NUM_CORES + lax.axis_index("c")
    base = wid * BPW
    pltpu.sync_copy(label_h.at[pl.ds(base, BPW)], idx_v)
    g_pending = pltpu.async_copy(
        cls_h.at[idx_v.at[pl.ds(0, K)]], rows_v, gsem)
    f1 = pltpu.async_copy(pre_h, fix_v.at[pl.ds(0, 4)], hsem)
    f2 = pltpu.async_copy(suf_h, fix_v.at[pl.ds(4, 3)], hsem)
    f3 = pltpu.async_copy(fin_h, fix_v.at[pl.ds(7, 1)], hsem)

    zero16 = jnp.zeros((16,), jnp.float32)

    @plsc.parallel_loop(0, BPW * LANES, unroll=4)
    def _zfill(i):
        z_v[i // LANES, pl.ds((i % LANES) * 16, 16)] = zero16

    def z_issue(lo, n):
        def zb(r, _):
            pltpu.async_copy(z_v, out_h.at[16 + r, pl.ds(base, BPW)], zsem)
            return 0
        lax.fori_loop(lo, lo + n, zb, 0)

    ZSCHED = (5, 14, 14, 14, 14)

    f1.wait()
    f2.wait()
    f3.wait()

    @plsc.parallel_loop(0, 8 * K * LANES, unroll=4)
    def _hfill(i):
        rf = i // (K * LANES)
        rem = i % (K * LANES)
        e = rem // LANES
        col = (rem % LANES) * 16
        ro = jnp.where(rf < 4, rf, jnp.where(rf < 7, rf + 4, 15))
        head_v[ro, e, pl.ds(col, 16)] = fix_v[rf, pl.ds(col, 16)]

    z_issue(0, ZSCHED[0])
    zoff = ZSCHED[0]
    h_pending = None
    for c in range(NCHUNK):
        g_pending.wait()
        if h_pending is not None:
            h_pending.wait()

        @plsc.parallel_loop(0, K * 4 * LANES, unroll=4)
        def _asm(i):
            e = i // (4 * LANES)
            rem = i % (4 * LANES)
            k = rem // LANES
            col = (rem % LANES) * 16
            head_v[4 + k, e, pl.ds(col, 16)] = rows_v[e, k, pl.ds(col, 16)]
            head_v[11 + k, e, pl.ds(col, 16)] = rows_v[e, 4 + k, pl.ds(col, 16)]

        if c + 1 < NCHUNK:
            g_pending = pltpu.async_copy(
                cls_h.at[idx_v.at[pl.ds((c + 1) * K, K)]], rows_v, gsem)
        h_pending = pltpu.async_copy(
            head_v, out_h.at[pl.ds(0, 16), pl.ds(base + c * K, K)], hsem)
        if ZSCHED[1 + c]:
            z_issue(zoff, ZSCHED[1 + c])
            zoff += ZSCHED[1 + c]
    h_pending.wait()

    def z_drain(i, _):
        pltpu.make_async_copy(
            z_v, out_h.at[16, pl.ds(base, BPW)], zsem).wait()
        return 0
    lax.fori_loop(0, NTAIL, z_drain, 0)


@jax.jit
def _sc_prompts(label, cls_ctx, prefix, suffix, final_suffix):
    mesh = plsc.VectorSubcoreMesh(core_axis_name="c", subcore_axis_name="s")
    return pl.kernel(
        _sc_body,
        out_type=jax.ShapeDtypeStruct((SEQ_LEN, BATCH, CTX_DIM), jnp.float32),
        mesh=mesh,
        scratch_types=[
            pltpu.VMEM((BPW,), jnp.int32),
            pltpu.VMEM((16, K, CTX_DIM), jnp.float32),
            pltpu.VMEM((BPW, CTX_DIM), jnp.float32),
            pltpu.VMEM((K, N_CLS_CTX, CTX_DIM), jnp.float32),
            pltpu.VMEM((8, CTX_DIM), jnp.float32),
            pltpu.SemaphoreType.DMA,
            pltpu.SemaphoreType.DMA,
            pltpu.SemaphoreType.DMA,
        ],
    )(label, cls_ctx, prefix, suffix, final_suffix)


def kernel(label, cls_ctx, prefix, suffix, final_suffix):
    out_t = _sc_prompts(label.astype(jnp.int32), cls_ctx,
                        prefix.reshape(4, CTX_DIM),
                        suffix.reshape(3, CTX_DIM),
                        final_suffix.reshape(1, CTX_DIM))
    return out_t.transpose(1, 0, 2)

# --- scband reference (transcript-rebuilt; emitter-appended) ---
"""Pipeline reference for scband-prompt-learner-23313082483082 (READ-ONLY COPY).

The authoritative reference and input builder live on the scoring server;
editing this copy changes nothing except your own understanding.
"""

import jax, jax.numpy as jnp
import numpy as np

NUM_CLASS = 100000
CTX_DIM = 512
N_CTX_1 = 4
N_CTX_2 = 4
N_CLS_CTX = N_CTX_1 + N_CTX_2
BATCH = 1024
SEQ_LEN = 77


def setup_inputs(seed: int = 0) -> dict:
    key = jax.random.key(seed)
    k1, k2, k3, k4, k5 = jax.random.split(key, 5)
    label = jax.random.randint(k1, (BATCH,), 0, NUM_CLASS, dtype=jnp.int64 if jax.config.jax_enable_x64 else jnp.int32).astype(jnp.int32)
    cls_ctx = jax.random.normal(k2, (NUM_CLASS, N_CLS_CTX, CTX_DIM), dtype=jnp.float32) * 0.02
    # buffers derived from frozen CLIP token embeddings of the ctx_init string
    prefix = jax.random.normal(k3, (1, 4, CTX_DIM), dtype=jnp.float32) * 0.02
    suffix = jax.random.normal(k4, (1, 3, CTX_DIM), dtype=jnp.float32) * 0.02
    final_suffix = jax.random.normal(k5, (1, 1, CTX_DIM), dtype=jnp.float32) * 0.02
    return {"label": label, "cls_ctx": cls_ctx, "prefix": prefix, "suffix": suffix, "final_suffix": final_suffix}


def reference(label, cls_ctx, prefix, suffix, final_suffix):
    cls = jnp.take(cls_ctx, label, axis=0)  # [B, 8, 512] gather
    b = label.shape[0]
    ctx_vectors_1 = jnp.broadcast_to(prefix, (b, prefix.shape[1], prefix.shape[2]))
    ctx_vectors_2 = jnp.broadcast_to(suffix, (b, suffix.shape[1], suffix.shape[2]))
    ctx_vectors_3 = jnp.broadcast_to(final_suffix, (b, final_suffix.shape[1], final_suffix.shape[2]))
    learnable_tokens_1 = cls[:, :N_CTX_1]
    learnable_tokens_2 = cls[:, N_CTX_1:N_CTX_1 + N_CTX_2]
    prompts = jnp.concatenate([ctx_vectors_1, learnable_tokens_1, ctx_vectors_2, learnable_tokens_2, ctx_vectors_3], axis=1)
    pad_length = SEQ_LEN - prompts.shape[1]
    if pad_length > 0:
        padding = jnp.zeros((prompts.shape[0], pad_length, prompts.shape[2]), dtype=prompts.dtype)
        prompts = jnp.concatenate([prompts, padding], axis=1)
    return prompts

if __name__ == "__main__":
    import jax
    _d = setup_inputs()
    print(jax.jit(kernel)(*tuple(_d.values())))

</pallas_src>

<mosaic_0001>
#map = affine_map<(d0, d1) -> (0)>
#map1 = affine_map<(d0, d1) -> (0, 0, 0)>
#map2 = affine_map<(d0, d1) -> (0, 0)>
module attributes {stable_mosaic.version = 14 : i64} {
  func.func @_sc_body(%arg0: i32, %arg1: i32, %arg2: memref<1024xi32, #tpu.memory_space<hbm>>, %arg3: memref<100000x8x512xf32, #tpu.memory_space<hbm>>, %arg4: memref<4x512xf32, #tpu.memory_space<hbm>>, %arg5: memref<3x512xf32, #tpu.memory_space<hbm>>, %arg6: memref<1x512xf32, #tpu.memory_space<hbm>>, %arg7: memref<77x1024x512xf32, #tpu.memory_space<hbm>>, %arg8: memref<32xi32, #tpu.memory_space<vmem>>, %arg9: memref<16x8x512xf32, #tpu.memory_space<vmem>>, %arg10: memref<32x512xf32, #tpu.memory_space<vmem>>, %arg11: memref<8x8x512xf32, #tpu.memory_space<vmem>>, %arg12: memref<8x512xf32, #tpu.memory_space<vmem>>, %arg13: memref<!tpu.dma_semaphore, #tpu.memory_space<semaphore_mem>>, %arg14: memref<!tpu.dma_semaphore, #tpu.memory_space<semaphore_mem>>, %arg15: memref<!tpu.dma_semaphore, #tpu.memory_space<semaphore_mem>>) attributes {dimension_semantics = [#tpu.dimension_semantics<core_parallel>, #tpu.dimension_semantics<subcore_parallel>], iteration_bounds = array<i64: 2, 16>, scalar_prefetch = 0 : i64, scratch_operands = 8 : i64, tpu.core_type = #tpu.core_type<sc_vector_subcore>, window_params = [{transform_indices = #map}, {transform_indices = #map1}, {transform_indices = #map2}, {transform_indices = #map2}, {transform_indices = #map2}, {transform_indices = #map1}]} {
    %mul3A = arith.constant 2 : i32
    %mul3A_0 = arith.muli %arg1, %mul3A : i32
    %add3A = arith.addi %mul3A_0, %arg0 : i32
    %mul3A_1 = arith.constant 32 : i32
    %mul3A_2 = arith.muli %add3A, %mul3A_1 : i32
    "tpu.region"() ({
      %run_scoped3A = tpu.sem_alloc : memref<!tpu.dma_semaphore, #tpu.memory_space<semaphore_mem>>
      %dma_start3A_200 = tpu.memref_slice %arg2[%mul3A_2] : memref<1024xi32, #tpu.memory_space<hbm>> -> memref<32xi32, #tpu.memory_space<hbm>>
      %dma_start3A_201 = tpu.memref_slice %arg2[%mul3A_2] : memref<1024xi32, #tpu.memory_space<hbm>> -> memref<32xi32, #tpu.memory_space<hbm>>
      tpu.enqueue_dma source(%dma_start3A_201 : memref<32xi32, #tpu.memory_space<hbm>>) target(%arg8 : memref<32xi32, #tpu.memory_space<vmem>>) target_semaphore(%run_scoped3A : memref<!tpu.dma_semaphore, #tpu.memory_space<semaphore_mem>>)
      %dma_wait3A_202 = tpu.memref_slice %arg2[%mul3A_2] : memref<1024xi32, #tpu.memory_space<hbm>> -> memref<32xi32, #tpu.memory_space<hbm>>
      %dma_wait3A_203 = tpu.memref_slice %arg2[%mul3A_2] : memref<1024xi32, #tpu.memory_space<hbm>> -> memref<32xi32, #tpu.memory_space<hbm>>
      tpu.wait_dma2 semaphore(%run_scoped3A : memref<!tpu.dma_semaphore, #tpu.memory_space<semaphore_mem>>) src(%dma_wait3A_203 : memref<32xi32, #tpu.memory_space<hbm>>) dst(%arg8 : memref<32xi32, #tpu.memory_space<vmem>>)
      tpu.yield
    }) : () -> ()
    %dma_start3A = arith.constant 0 : i32
    %dma_start3A_3 = tpu.memref_slice %arg8[%dma_start3A] : memref<32xi32, #tpu.memory_space<vmem>> -> memref<8xi32, #tpu.memory_space<vmem>>
    %dma_start3A_4 = arith.constant 0 : i32
    %dma_start3A_5 = arith.constant 0 : i32
    %dma_start3A_6 = arith.constant 0 : i32
    %dma_start3A_7 = tpu.memref_slice %arg3[%dma_start3A_4, %dma_start3A_5, %dma_start3A_6] : memref<100000x8x512xf32, #tpu.memory_space<hbm>> -> memref<100000x8x512xf32, #tpu.memory_space<hbm>>
    tpu.enqueue_indirect_dma source(%dma_start3A_7 : memref<100000x8x512xf32, #tpu.memory_space<hbm>>) target(%arg11 : memref<8x8x512xf32, #tpu.memory_space<vmem>>) offsets(%dma_start3A_3 : memref<8xi32, #tpu.memory_space<vmem>>) semaphore(%arg13 : memref<!tpu.dma_semaphore, #tpu.memory_space<semaphore_mem>>)
    %dma_start3A_8 = arith.constant 0 : i32
    %dma_start3A_9 = arith.constant 0 : i32
    %dma_start3A_10 = tpu.memref_slice %arg12[%dma_start3A_8, %dma_start3A_9] : memref<8x512xf32, #tpu.memory_space<vmem>> -> memref<4x512xf32, #tpu.memory_space<vmem>>
    %dma_start3A_11 = arith.constant 0 : i32
    %dma_start3A_12 = arith.constant 0 : i32
    %dma_start3A_13 = tpu.memref_slice %arg12[%dma_start3A_11, %dma_start3A_12] : memref<8x512xf32, #tpu.memory_space<vmem>> -> memref<4x512xf32, #tpu.memory_space<vmem>>
    tpu.enqueue_dma source(%arg4 : memref<4x512xf32, #tpu.memory_space<hbm>>) target(%dma_start3A_13 : memref<4x512xf32, #tpu.memory_space<vmem>>) target_semaphore(%arg14 : memref<!tpu.dma_semaphore, #tpu.memory_space<semaphore_mem>>)
    %dma_start3A_14 = arith.constant 4 : i32
    %dma_start3A_15 = arith.constant 0 : i32
    %dma_start3A_16 = tpu.memref_slice %arg12[%dma_start3A_14, %dma_start3A_15] : memref<8x512xf32, #tpu.memory_space<vmem>> -> memref<3x512xf32, #tpu.memory_space<vmem>>
    %dma_start3A_17 = arith.constant 4 : i32
    %dma_start3A_18 = arith.constant 0 : i32
    %dma_start3A_19 = tpu.memref_slice %arg12[%dma_start3A_17, %dma_start3A_18] : memref<8x512xf32, #tpu.memory_space<vmem>> -> memref<3x512xf32, #tpu.memory_space<vmem>>
    tpu.enqueue_dma source(%arg5 : memref<3x512xf32, #tpu.memory_space<hbm>>) target(%dma_start3A_19 : memref<3x512xf32, #tpu.memory_space<vmem>>) target_semaphore(%arg14 : memref<!tpu.dma_semaphore, #tpu.memory_space<semaphore_mem>>)
    %dma_start3A_20 = arith.constant 7 : i32
    %dma_start3A_21 = arith.constant 0 : i32
    %dma_start3A_22 = tpu.memref_slice %arg12[%dma_start3A_20, %dma_start3A_21] : memref<8x512xf32, #tpu.memory_space<vmem>> -> memref<1x512xf32, #tpu.memory_space<vmem>>
    %dma_start3A_23 = arith.constant 7 : i32
    %dma_start3A_24 = arith.constant 0 : i32
    %dma_start3A_25 = tpu.memref_slice %arg12[%dma_start3A_23, %dma_start3A_24] : memref<8x512xf32, #tpu.memory_space<vmem>> -> memref<1x512xf32, #tpu.memory_space<vmem>>
    tpu.enqueue_dma source(%arg6 : memref<1x512xf32, #tpu.memory_space<hbm>>) target(%dma_start3A_25 : memref<1x512xf32, #tpu.memory_space<vmem>>) target_semaphore(%arg14 : memref<!tpu.dma_semaphore, #tpu.memory_space<semaphore_mem>>)
    %broadcast_in_dim3A = arith.constant 0.000000e+00 : f32
    %broadcast_in_dim3A_26 = vector.broadcast %broadcast_in_dim3A : f32 to vector<16xf32>
    %parallel_loop3A = arith.constant 0 : i32
    %parallel_loop3A_27 = arith.constant 1024 : i32
    %parallel_loop3A_28 = arith.constant 1 : i32
    scf.for %parallel_loop3A_200 = %parallel_loop3A to %parallel_loop3A_27 step %parallel_loop3A_28  : i32 {
      %parallel_loop3A_201 = arith.constant 32 : i32
      %parallel_loop3A_202 = arith.divsi %parallel_loop3A_200, %parallel_loop3A_201 : i32
      %parallel_loop3A_203 = arith.constant 0 : i32
      %parallel_loop3A_204 = arith.cmpi sgt, %parallel_loop3A_200, %parallel_loop3A_203 : i32
      %parallel_loop3A_205 = arith.extui %parallel_loop3A_204 : i1 to i32
      %parallel_loop3A_206 = arith.constant 0 : i32
      %parallel_loop3A_207 = arith.cmpi slt, %parallel_loop3A_200, %parallel_loop3A_206 : i32
      %parallel_loop3A_208 = arith.extui %parallel_loop3A_207 : i1 to i32
      %parallel_loop3A_209 = arith.subi %parallel_loop3A_205, %parallel_loop3A_208 : i32
      %parallel_loop3A_210 = arith.constant 0 : i32
      %parallel_loop3A_211 = arith.cmpi sgt, %parallel_loop3A_201, %parallel_loop3A_210 : i32
      %parallel_loop3A_212 = arith.extui %parallel_loop3A_211 : i1 to i32
      %parallel_loop3A_213 = arith.constant 0 : i32
      %parallel_loop3A_214 = arith.cmpi slt, %parallel_loop3A_201, %parallel_loop3A_213 : i32
      %parallel_loop3A_215 = arith.extui %parallel_loop3A_214 : i1 to i32
      %parallel_loop3A_216 = arith.subi %parallel_loop3A_212, %parallel_loop3A_215 : i32
      %parallel_loop3A_217 = arith.cmpi ne, %parallel_loop3A_209, %parallel_loop3A_216 : i32
      %parallel_loop3A_218 = arith.remsi %parallel_loop3A_200, %parallel_loop3A_201 : i32
      %parallel_loop3A_219 = arith.constant 0 : i32
      %parallel_loop3A_220 = arith.cmpi ne, %parallel_loop3A_218, %parallel_loop3A_219 : i32
      %parallel_loop3A_221 = arith.andi %parallel_loop3A_217, %parallel_loop3A_220 : i1
      %parallel_loop3A_222 = arith.constant 1 : i32
      %parallel_loop3A_223 = arith.subi %parallel_loop3A_202, %parallel_loop3A_222 : i32
      %parallel_loop3A_224 = arith.select %parallel_loop3A_221, %parallel_loop3A_223, %parallel_loop3A_202 : i32
      %parallel_loop3A_225 = arith.constant 32 : i32
      %parallel_loop3A_226 = arith.constant 0 : i32
      %parallel_loop3A_227 = arith.cmpi eq, %parallel_loop3A_225, %parallel_loop3A_226 : i32
      %parallel_loop3A_228 = arith.constant 1 : i32
      %parallel_loop3A_229 = arith.select %parallel_loop3A_227, %parallel_loop3A_228, %parallel_loop3A_225 : i32
      %parallel_loop3A_230 = arith.remsi %parallel_loop3A_200, %parallel_loop3A_229 : i32
      %parallel_loop3A_231 = arith.constant 0 : i32
      %parallel_loop3A_232 = arith.cmpi ne, %parallel_loop3A_230, %parallel_loop3A_231 : i32
      %parallel_loop3A_233 = arith.constant 0 : i32
      %parallel_loop3A_234 = arith.cmpi slt, %parallel_loop3A_230, %parallel_loop3A_233 : i32
      %parallel_loop3A_235 = arith.constant 0 : i32
      %parallel_loop3A_236 = arith.cmpi slt, %parallel_loop3A_229, %parallel_loop3A_235 : i32
      %parallel_loop3A_237 = arith.xori %parallel_loop3A_234, %parallel_loop3A_236 : i1
      %parallel_loop3A_238 = arith.andi %parallel_loop3A_237, %parallel_loop3A_232 : i1
      %parallel_loop3A_239 = arith.addi %parallel_loop3A_230, %parallel_loop3A_229 : i32
      %parallel_loop3A_240 = arith.select %parallel_loop3A_238, %parallel_loop3A_239, %parallel_loop3A_230 : i32
      %parallel_loop3A_241 = arith.constant 16 : i32
      %parallel_loop3A_242 = arith.muli %parallel_loop3A_240, %parallel_loop3A_241 : i32
      %parallel_loop3A_243 = arith.index_cast %parallel_loop3A_224 : i32 to index
      %parallel_loop3A_244 = arith.index_cast %parallel_loop3A_242 : i32 to index
      %parallel_loop3A_245 = tpu.vector_load %arg10[%parallel_loop3A_243, %parallel_loop3A_244] {strides = array<i32>} : memref<32x512xf32, #tpu.memory_space<vmem>>, vector<1x16xf32>,
      %parallel_loop3A_246 = vector.shape_cast %parallel_loop3A_245 : vector<1x16xf32> to vector<16xf32>
      %parallel_loop3A_247 = vector.shape_cast %broadcast_in_dim3A_26 : vector<16xf32> to vector<1x16xf32>
      tpu.vector_store %arg10[%parallel_loop3A_243, %parallel_loop3A_244], %parallel_loop3A_247 {strides = array<i32>} : memref<32x512xf32, #tpu.memory_space<vmem>>, vector<1x16xf32>,
    } {sc.loop_unroll_factor = 4 : i64, sc.parallel_access}
    %dma_wait3A = arith.constant 0 : i32
    %dma_wait3A_29 = arith.constant 0 : i32
    %dma_wait3A_30 = tpu.memref_slice %arg12[%dma_wait3A, %dma_wait3A_29] : memref<8x512xf32, #tpu.memory_space<vmem>> -> memref<4x512xf32, #tpu.memory_space<vmem>>
    %dma_wait3A_31 = arith.constant 0 : i32
    %dma_wait3A_32 = arith.constant 0 : i32
    %dma_wait3A_33 = tpu.memref_slice %arg12[%dma_wait3A_31, %dma_wait3A_32] : memref<8x512xf32, #tpu.memory_space<vmem>> -> memref<4x512xf32, #tpu.memory_space<vmem>>
    tpu.wait_dma2 semaphore(%arg14 : memref<!tpu.dma_semaphore, #tpu.memory_space<semaphore_mem>>) src(%arg4 : memref<4x512xf32, #tpu.memory_space<hbm>>) dst(%dma_wait3A_33 : memref<4x512xf32, #tpu.memory_space<vmem>>)
    %dma_wait3A_34 = arith.constant 4 : i32
    %dma_wait3A_35 = arith.constant 0 : i32
    %dma_wait3A_36 = tpu.memref_slice %arg12[%dma_wait3A_34, %dma_wait3A_35] : memref<8x512xf32, #tpu.memory_space<vmem>> -> memref<3x512xf32, #tpu.memory_space<vmem>>
    %dma_wait3A_37 = arith.constant 4 : i32
    %dma_wait3A_38 = arith.constant 0 : i32
    %dma_wait3A_39 = tpu.memref_slice %arg12[%dma_wait3A_37, %dma_wait3A_38] : memref<8x512xf32, #tpu.memory_space<vmem>> -> memref<3x512xf32, #tpu.memory_space<vmem>>
    tpu.wait_dma2 semaphore(%arg14 : memref<!tpu.dma_semaphore, #tpu.memory_space<semaphore_mem>>) src(%arg5 : memref<3x512xf32, #tpu.memory_space<hbm>>) dst(%dma_wait3A_39 : memref<3x512xf32, #tpu.memory_space<vmem>>)
    %dma_wait3A_40 = arith.constant 7 : i32
    %dma_wait3A_41 = arith.constant 0 : i32
    %dma_wait3A_42 = tpu.memref_slice %arg12[%dma_wait3A_40, %dma_wait3A_41] : memref<8x512xf32, #tpu.memory_space<vmem>> -> memref<1x512xf32, #tpu.memory_space<vmem>>
    %dma_wait3A_43 = arith.constant 7 : i32
    %dma_wait3A_44 = arith.constant 0 : i32
    %dma_wait3A_45 = tpu.memref_slice %arg12[%dma_wait3A_43, %dma_wait3A_44] : memref<8x512xf32, #tpu.memory_space<vmem>> -> memref<1x512xf32, #tpu.memory_space<vmem>>
    tpu.wait_dma2 semaphore(%arg14 : memref<!tpu.dma_semaphore, #tpu.memory_space<semaphore_mem>>) src(%arg6 : memref<1x512xf32, #tpu.memory_space<hbm>>) dst(%dma_wait3A_45 : memref<1x512xf32, #tpu.memory_space<vmem>>)
    %parallel_loop3A_46 = arith.constant 0 : i32
    %parallel_loop3A_47 = arith.constant 2048 : i32
    %parallel_loop3A_48 = arith.constant 1 : i32
    scf.for %parallel_loop3A_200 = %parallel_loop3A_46 to %parallel_loop3A_47 step %parallel_loop3A_48  : i32 {
      %parallel_loop3A_201 = arith.constant 256 : i32
      %parallel_loop3A_202 = arith.divsi %parallel_loop3A_200, %parallel_loop3A_201 : i32
      %parallel_loop3A_203 = arith.constant 0 : i32
      %parallel_loop3A_204 = arith.cmpi sgt, %parallel_loop3A_200, %parallel_loop3A_203 : i32
      %parallel_loop3A_205 = arith.extui %parallel_loop3A_204 : i1 to i32
      %parallel_loop3A_206 = arith.constant 0 : i32
      %parallel_loop3A_207 = arith.cmpi slt, %parallel_loop3A_200, %parallel_loop3A_206 : i32
      %parallel_loop3A_208 = arith.extui %parallel_loop3A_207 : i1 to i32
      %parallel_loop3A_209 = arith.subi %parallel_loop3A_205, %parallel_loop3A_208 : i32
      %parallel_loop3A_210 = arith.constant 0 : i32
      %parallel_loop3A_211 = arith.cmpi sgt, %parallel_loop3A_201, %parallel_loop3A_210 : i32
      %parallel_loop3A_212 = arith.extui %parallel_loop3A_211 : i1 to i32
      %parallel_loop3A_213 = arith.constant 0 : i32
      %parallel_loop3A_214 = arith.cmpi slt, %parallel_loop3A_201, %parallel_loop3A_213 : i32
      %parallel_loop3A_215 = arith.extui %parallel_loop3A_214 : i1 to i32
      %parallel_loop3A_216 = arith.subi %parallel_loop3A_212, %parallel_loop3A_215 : i32
      %parallel_loop3A_217 = arith.cmpi ne, %parallel_loop3A_209, %parallel_loop3A_216 : i32
      %parallel_loop3A_218 = arith.remsi %parallel_loop3A_200, %parallel_loop3A_201 : i32
      %parallel_loop3A_219 = arith.constant 0 : i32
      %parallel_loop3A_220 = arith.cmpi ne, %parallel_loop3A_218, %parallel_loop3A_219 : i32
      %parallel_loop3A_221 = arith.andi %parallel_loop3A_217, %parallel_loop3A_220 : i1
      %parallel_loop3A_222 = arith.constant 1 : i32
      %parallel_loop3A_223 = arith.subi %parallel_loop3A_202, %parallel_loop3A_222 : i32
      %parallel_loop3A_224 = arith.select %parallel_loop3A_221, %parallel_loop3A_223, %parallel_loop3A_202 : i32
      %parallel_loop3A_225 = arith.constant 256 : i32
      %parallel_loop3A_226 = arith.constant 0 : i32
      %parallel_loop3A_227 = arith.cmpi eq, %parallel_loop3A_225, %parallel_loop3A_226 : i32
      %parallel_loop3A_228 = arith.constant 1 : i32
      %parallel_loop3A_229 = arith.select %parallel_loop3A_227, %parallel_loop3A_228, %parallel_loop3A_225 : i32
      %parallel_loop3A_230 = arith.remsi %parallel_loop3A_200, %parallel_loop3A_229 : i32
      %parallel_loop3A_231 = arith.constant 0 : i32
      %parallel_loop3A_232 = arith.cmpi ne, %parallel_loop3A_230, %parallel_loop3A_231 : i32
      %parallel_loop3A_233 = arith.constant 0 : i32
      %parallel_loop3A_234 = arith.cmpi slt, %parallel_loop3A_230, %parallel_loop3A_233 : i32
      %parallel_loop3A_235 = arith.constant 0 : i32
      %parallel_loop3A_236 = arith.cmpi slt, %parallel_loop3A_229, %parallel_loop3A_235 : i32
      %parallel_loop3A_237 = arith.xori %parallel_loop3A_234, %parallel_loop3A_236 : i1
      %parallel_loop3A_238 = arith.andi %parallel_loop3A_237, %parallel_loop3A_232 : i1
      %parallel_loop3A_239 = arith.addi %parallel_loop3A_230, %parallel_loop3A_229 : i32
      %parallel_loop3A_240 = arith.select %parallel_loop3A_238, %parallel_loop3A_239, %parallel_loop3A_230 : i32
      %parallel_loop3A_241 = arith.constant 32 : i32
      %parallel_loop3A_242 = arith.divsi %parallel_loop3A_240, %parallel_loop3A_241 : i32
      %parallel_loop3A_243 = arith.constant 0 : i32
      %parallel_loop3A_244 = arith.cmpi sgt, %parallel_loop3A_240, %parallel_loop3A_243 : i32
      %parallel_loop3A_245 = arith.extui %parallel_loop3A_244 : i1 to i32
      %parallel_loop3A_246 = arith.constant 0 : i32
      %parallel_loop3A_247 = arith.cmpi slt, %parallel_loop3A_240, %parallel_loop3A_246 : i32
      %parallel_loop3A_248 = arith.extui %parallel_loop3A_247 : i1 to i32
      %parallel_loop3A_249 = arith.subi %parallel_loop3A_245, %parallel_loop3A_248 : i32
      %parallel_loop3A_250 = arith.constant 0 : i32
      %parallel_loop3A_251 = arith.cmpi sgt, %parallel_loop3A_241, %parallel_loop3A_250 : i32
      %parallel_loop3A_252 = arith.extui %parallel_loop3A_251 : i1 to i32
      %parallel_loop3A_253 = arith.constant 0 : i32
      %parallel_loop3A_254 = arith.cmpi slt, %parallel_loop3A_241, %parallel_loop3A_253 : i32
      %parallel_loop3A_255 = arith.extui %parallel_loop3A_254 : i1 to i32
      %parallel_loop3A_256 = arith.subi %parallel_loop3A_252, %parallel_loop3A_255 : i32
      %parallel_loop3A_257 = arith.cmpi ne, %parallel_loop3A_249, %parallel_loop3A_256 : i32
      %parallel_loop3A_258 = arith.remsi %parallel_loop3A_240, %parallel_loop3A_241 : i32
      %parallel_loop3A_259 = arith.constant 0 : i32
      %parallel_loop3A_260 = arith.cmpi ne, %parallel_loop3A_258, %parallel_loop3A_259 : i32
      %parallel_loop3A_261 = arith.andi %parallel_loop3A_257, %parallel_loop3A_260 : i1
      %parallel_loop3A_262 = arith.constant 1 : i32
      %parallel_loop3A_263 = arith.subi %parallel_loop3A_242, %parallel_loop3A_262 : i32
      %parallel_loop3A_264 = arith.select %parallel_loop3A_261, %parallel_loop3A_263, %parallel_loop3A_242 : i32
      %parallel_loop3A_265 = arith.constant 32 : i32
      %parallel_loop3A_266 = arith.constant 0 : i32
      %parallel_loop3A_267 = arith.cmpi eq, %parallel_loop3A_265, %parallel_loop3A_266 : i32
      %parallel_loop3A_268 = arith.constant 1 : i32
      %parallel_loop3A_269 = arith.select %parallel_loop3A_267, %parallel_loop3A_268, %parallel_loop3A_265 : i32
      %parallel_loop3A_270 = arith.remsi %parallel_loop3A_240, %parallel_loop3A_269 : i32
      %parallel_loop3A_271 = arith.constant 0 : i32
      %parallel_loop3A_272 = arith.cmpi ne, %parallel_loop3A_270, %parallel_loop3A_271 : i32
      %parallel_loop3A_273 = arith.constant 0 : i32
      %parallel_loop3A_274 = arith.cmpi slt, %parallel_loop3A_270, %parallel_loop3A_273 : i32
      %parallel_loop3A_275 = arith.constant 0 : i32
      %parallel_loop3A_276 = arith.cmpi slt, %parallel_loop3A_269, %parallel_loop3A_275 : i32
      %parallel_loop3A_277 = arith.xori %parallel_loop3A_274, %parallel_loop3A_276 : i1
      %parallel_loop3A_278 = arith.andi %parallel_loop3A_277, %parallel_loop3A_272 : i1
      %parallel_loop3A_279 = arith.addi %parallel_loop3A_270, %parallel_loop3A_269 : i32
      %parallel_loop3A_280 = arith.select %parallel_loop3A_278, %parallel_loop3A_279, %parallel_loop3A_270 : i32
      %parallel_loop3A_281 = arith.constant 16 : i32
      %parallel_loop3A_282 = arith.muli %parallel_loop3A_280, %parallel_loop3A_281 : i32
      %parallel_loop3A_283 = arith.constant 4 : i32
      %parallel_loop3A_284 = arith.cmpi slt, %parallel_loop3A_224, %parallel_loop3A_283 : i32
      %parallel_loop3A_285 = arith.constant 7 : i32
      %parallel_loop3A_286 = arith.cmpi slt, %parallel_loop3A_224, %parallel_loop3A_285 : i32
      %parallel_loop3A_287 = arith.constant 4 : i32
      %parallel_loop3A_288 = arith.addi %parallel_loop3A_224, %parallel_loop3A_287 : i32
      %parallel_loop3A_289 = arith.constant 15 : i32
      %parallel_loop3A_290 = arith.select %parallel_loop3A_286, %parallel_loop3A_288, %parallel_loop3A_289 : i32
      %parallel_loop3A_291 = arith.select %parallel_loop3A_284, %parallel_loop3A_224, %parallel_loop3A_290 : i32
      %parallel_loop3A_292 = arith.index_cast %parallel_loop3A_224 : i32 to index
      %parallel_loop3A_293 = arith.index_cast %parallel_loop3A_282 : i32 to index
      %parallel_loop3A_294 = tpu.vector_load %arg12[%parallel_loop3A_292, %parallel_loop3A_293] {strides = array<i32>} : memref<8x512xf32, #tpu.memory_space<vmem>>, vector<1x16xf32>,
      %parallel_loop3A_295 = vector.shape_cast %parallel_loop3A_294 : vector<1x16xf32> to vector<16xf32>
      %parallel_loop3A_296 = arith.index_cast %parallel_loop3A_291 : i32 to index
      %parallel_loop3A_297 = arith.index_cast %parallel_loop3A_264 : i32 to index
      %parallel_loop3A_298 = arith.index_cast %parallel_loop3A_282 : i32 to index
      %parallel_loop3A_299 = tpu.vector_load %arg9[%parallel_loop3A_296, %parallel_loop3A_297, %parallel_loop3A_298] {strides = array<i32>} : memref<16x8x512xf32, #tpu.memory_space<vmem>>, vector<1x1x16xf32>,
      %parallel_loop3A_300 = vector.shape_cast %parallel_loop3A_299 : vector<1x1x16xf32> to vector<16xf32>
      %parallel_loop3A_301 = vector.shape_cast %parallel_loop3A_295 : vector<16xf32> to vector<1x1x16xf32>
      tpu.vector_store %arg9[%parallel_loop3A_296, %parallel_loop3A_297, %parallel_loop3A_298], %parallel_loop3A_301 {strides = array<i32>} : memref<16x8x512xf32, #tpu.memory_space<vmem>>, vector<1x1x16xf32>,
    } {sc.loop_unroll_factor = 4 : i64, sc.parallel_access}
    %scan3A = arith.constant 0 : i32
    %scan3A_49 = arith.constant 0 : i32
    %scan3A_50 = arith.constant 5 : i32
    %scan3A_51 = arith.addi %scan3A_49, %scan3A_50 : i32
    %scan3A_52 = arith.constant 1 : i32
    %scan3A_53 = scf.for %scan3A_200 = %scan3A_49 to %scan3A_51 step %scan3A_52 iter_args(%scan3A_201 = %scan3A) -> (i32)  : i32 {
      %add3A_202 = arith.constant 16 : i32
      %add3A_203 = arith.addi %add3A_202, %scan3A_200 : i32
      %dma_start3A_204 = arith.constant 0 : i32
      %dma_start3A_205 = tpu.memref_slice %arg7[%add3A_203, %mul3A_2, %dma_start3A_204] : memref<77x1024x512xf32, #tpu.memory_space<hbm>> -> memref<1x32x512xf32, #tpu.memory_space<hbm>>
      %dma_start3A_206 = tpu.memref_squeeze %dma_start3A_205 : memref<1x32x512xf32, #tpu.memory_space<hbm>> -> memref<32x512xf32, #tpu.memory_space<hbm>>
      %dma_start3A_207 = arith.constant 0 : i32
      %dma_start3A_208 = tpu.memref_slice %arg7[%add3A_203, %mul3A_2, %dma_start3A_207] : memref<77x1024x512xf32, #tpu.memory_space<hbm>> -> memref<1x32x512xf32, #tpu.memory_space<hbm>>
      %dma_start3A_209 = tpu.memref_squeeze %dma_start3A_208 : memref<1x32x512xf32, #tpu.memory_space<hbm>> -> memref<32x512xf32, #tpu.memory_space<hbm>>
      tpu.enqueue_dma source(%arg10 : memref<32x512xf32, #tpu.memory_space<vmem>>) target(%dma_start3A_209 : memref<32x512xf32, #tpu.memory_space<hbm>>) target_semaphore(%arg15 : memref<!tpu.dma_semaphore, #tpu.memory_space<semaphore_mem>>)
      %scan3A_210 = arith.constant 0 : i32
      scf.yield %scan3A_210 : i32
    }
    %scan3A_54 = arith.constant 5 : i32
    %dma_wait3A_55 = arith.constant 0 : i32
    %dma_wait3A_56 = tpu.memref_slice %arg8[%dma_wait3A_55] : memref<32xi32, #tpu.memory_space<vmem>> -> memref<8xi32, #tpu.memory_space<vmem>>
    %dma_wait3A_57 = arith.constant 0 : i32
    %dma_wait3A_58 = arith.constant 0 : i32
    %dma_wait3A_59 = arith.constant 0 : i32
    %dma_wait3A_60 = tpu.memref_slice %arg3[%dma_wait3A_57, %dma_wait3A_58, %dma_wait3A_59] : memref<100000x8x512xf32, #tpu.memory_space<hbm>> -> memref<100000x8x512xf32, #tpu.memory_space<hbm>>
    tpu.wait_indirect_dma semaphore(%arg13 : memref<!tpu.dma_semaphore, #tpu.memory_space<semaphore_mem>>) src(%dma_wait3A_60 : memref<100000x8x512xf32, #tpu.memory_space<hbm>>) dst(%arg11 : memref<8x8x512xf32, #tpu.memory_space<vmem>>)
    %parallel_loop3A_61 = arith.constant 0 : i32
    %parallel_loop3A_62 = arith.constant 1024 : i32
    %parallel_loop3A_63 = arith.constant 1 : i32
    scf.for %parallel_loop3A_200 = %parallel_loop3A_61 to %parallel_loop3A_62 step %parallel_loop3A_63  : i32 {
      %parallel_loop3A_201 = arith.constant 128 : i32
      %parallel_loop3A_202 = arith.divsi %parallel_loop3A_200, %parallel_loop3A_201 : i32
      %parallel_loop3A_203 = arith.constant 0 : i32
      %parallel_loop3A_204 = arith.cmpi sgt, %parallel_loop3A_200, %parallel_loop3A_203 : i32
      %parallel_loop3A_205 = arith.extui %parallel_loop3A_204 : i1 to i32
      %parallel_loop3A_206 = arith.constant 0 : i32
      %parallel_loop3A_207 = arith.cmpi slt, %parallel_loop3A_200, %parallel_loop3A_206 : i32
      %parallel_loop3A_208 = arith.extui %parallel_loop3A_207 : i1 to i32
      %parallel_loop3A_209 = arith.subi %parallel_loop3A_205, %parallel_loop3A_208 : i32
      %parallel_loop3A_210 = arith.constant 0 : i32
      %parallel_loop3A_211 = arith.cmpi sgt, %parallel_loop3A_201, %parallel_loop3A_210 : i32
      %parallel_loop3A_212 = arith.extui %parallel_loop3A_211 : i1 to i32
      %parallel_loop3A_213 = arith.constant 0 : i32
      %parallel_loop3A_214 = arith.cmpi slt, %parallel_loop3A_201, %parallel_loop3A_213 : i32
      %parallel_loop3A_215 = arith.extui %parallel_loop3A_214 : i1 to i32
      %parallel_loop3A_216 = arith.subi %parallel_loop3A_212, %parallel_loop3A_215 : i32
      %parallel_loop3A_217 = arith.cmpi ne, %parallel_loop3A_209, %parallel_loop3A_216 : i32
      %parallel_loop3A_218 = arith.remsi %parallel_loop3A_200, %parallel_loop3A_201 : i32
      %parallel_loop3A_219 = arith.constant 0 : i32
      %parallel_loop3A_220 = arith.cmpi ne, %parallel_loop3A_218, %parallel_loop3A_219 : i32
      %parallel_loop3A_221 = arith.andi %parallel_loop3A_217, %parallel_loop3A_220 : i1
      %parallel_loop3A_222 = arith.constant 1 : i32
      %parallel_loop3A_223 = arith.subi %parallel_loop3A_202, %parallel_loop3A_222 : i32
      %parallel_loop3A_224 = arith.select %parallel_loop3A_221, %parallel_loop3A_223, %parallel_loop3A_202 : i32
      %parallel_loop3A_225 = arith.constant 128 : i32
      %parallel_loop3A_226 = arith.constant 0 : i32
      %parallel_loop3A_227 = arith.cmpi eq, %parallel_loop3A_225, %parallel_loop3A_226 : i32
      %parallel_loop3A_228 = arith.constant 1 : i32
      %parallel_loop3A_229 = arith.select %parallel_loop3A_227, %parallel_loop3A_228, %parallel_loop3A_225 : i32
      %parallel_loop3A_230 = arith.remsi %parallel_loop3A_200, %parallel_loop3A_229 : i32
      %parallel_loop3A_231 = arith.constant 0 : i32
      %parallel_loop3A_232 = arith.cmpi ne, %parallel_loop3A_230, %parallel_loop3A_231 : i32
      %parallel_loop3A_233 = arith.constant 0 : i32
      %parallel_loop3A_234 = arith.cmpi slt, %parallel_loop3A_230, %parallel_loop3A_233 : i32
      %parallel_loop3A_235 = arith.constant 0 : i32
      %parallel_loop3A_236 = arith.cmpi slt, %parallel_loop3A_229, %parallel_loop3A_235 : i32
      %parallel_loop3A_237 = arith.xori %parallel_loop3A_234, %parallel_loop3A_236 : i1
      %parallel_loop3A_238 = arith.andi %parallel_loop3A_237, %parallel_loop3A_232 : i1
      %parallel_loop3A_239 = arith.addi %parallel_loop3A_230, %parallel_loop3A_229 : i32
      %parallel_loop3A_240 = arith.select %parallel_loop3A_238, %parallel_loop3A_239, %parallel_loop3A_230 : i32
      %parallel_loop3A_241 = arith.constant 32 : i32
      %parallel_loop3A_242 = arith.divsi %parallel_loop3A_240, %parallel_loop3A_241 : i32
      %parallel_loop3A_243 = arith.constant 0 : i32
      %parallel_loop3A_244 = arith.cmpi sgt, %parallel_loop3A_240, %parallel_loop3A_243 : i32
      %parallel_loop3A_245 = arith.extui %parallel_loop3A_244 : i1 to i32
      %parallel_loop3A_246 = arith.constant 0 : i32
      %parallel_loop3A_247 = arith.cmpi slt, %parallel_loop3A_240, %parallel_loop3A_246 : i32
      %parallel_loop3A_248 = arith.extui %parallel_loop3A_247 : i1 to i32
      %parallel_loop3A_249 = arith.subi %parallel_loop3A_245, %parallel_loop3A_248 : i32
      %parallel_loop3A_250 = arith.constant 0 : i32
      %parallel_loop3A_251 = arith.cmpi sgt, %parallel_loop3A_241, %parallel_loop3A_250 : i32
      %parallel_loop3A_252 = arith.extui %parallel_loop3A_251 : i1 to i32
      %parallel_loop3A_253 = arith.constant 0 : i32
      %parallel_loop3A_254 = arith.cmpi slt, %parallel_loop3A_241, %parallel_loop3A_253 : i32
      %parallel_loop3A_255 = arith.extui %parallel_loop3A_254 : i1 to i32
      %parallel_loop3A_256 = arith.subi %parallel_loop3A_252, %parallel_loop3A_255 : i32
      %parallel_loop3A_257 = arith.cmpi ne, %parallel_loop3A_249, %parallel_loop3A_256 : i32
      %parallel_loop3A_258 = arith.remsi %parallel_loop3A_240, %parallel_loop3A_241 : i32
      %parallel_loop3A_259 = arith.constant 0 : i32
      %parallel_loop3A_260 = arith.cmpi ne, %parallel_loop3A_258, %parallel_loop3A_259 : i32
      %parallel_loop3A_261 = arith.andi %parallel_loop3A_257, %parallel_loop3A_260 : i1
      %parallel_loop3A_262 = arith.constant 1 : i32
      %parallel_loop3A_263 = arith.subi %parallel_loop3A_242, %parallel_loop3A_262 : i32
      %parallel_loop3A_264 = arith.select %parallel_loop3A_261, %parallel_loop3A_263, %parallel_loop3A_242 : i32
      %parallel_loop3A_265 = arith.constant 32 : i32
      %parallel_loop3A_266 = arith.constant 0 : i32
      %parallel_loop3A_267 = arith.cmpi eq, %parallel_loop3A_265, %parallel_loop3A_266 : i32
      %parallel_loop3A_268 = arith.constant 1 : i32
      %parallel_loop3A_269 = arith.select %parallel_loop3A_267, %parallel_loop3A_268, %parallel_loop3A_265 : i32
      %parallel_loop3A_270 = arith.remsi %parallel_loop3A_240, %parallel_loop3A_269 : i32
      %parallel_loop3A_271 = arith.constant 0 : i32
      %parallel_loop3A_272 = arith.cmpi ne, %parallel_loop3A_270, %parallel_loop3A_271 : i32
      %parallel_loop3A_273 = arith.constant 0 : i32
      %parallel_loop3A_274 = arith.cmpi slt, %parallel_loop3A_270, %parallel_loop3A_273 : i32
      %parallel_loop3A_275 = arith.constant 0 : i32
      %parallel_loop3A_276 = arith.cmpi slt, %parallel_loop3A_269, %parallel_loop3A_275 : i32
      %parallel_loop3A_277 = arith.xori %parallel_loop3A_274, %parallel_loop3A_276 : i1
      %parallel_loop3A_278 = arith.andi %parallel_loop3A_277, %parallel_loop3A_272 : i1
      %parallel_loop3A_279 = arith.addi %parallel_loop3A_270, %parallel_loop3A_269 : i32
      %parallel_loop3A_280 = arith.select %parallel_loop3A_278, %parallel_loop3A_279, %parallel_loop3A_270 : i32
      %parallel_loop3A_281 = arith.constant 16 : i32
      %parallel_loop3A_282 = arith.muli %parallel_loop3A_280, %parallel_loop3A_281 : i32
      %parallel_loop3A_283 = arith.index_cast %parallel_loop3A_224 : i32 to index
      %parallel_loop3A_284 = arith.index_cast %parallel_loop3A_264 : i32 to index
      %parallel_loop3A_285 = arith.index_cast %parallel_loop3A_282 : i32 to index
      %parallel_loop3A_286 = tpu.vector_load %arg11[%parallel_loop3A_283, %parallel_loop3A_284, %parallel_loop3A_285] {strides = array<i32>} : memref<8x8x512xf32, #tpu.memory_space<vmem>>, vector<1x1x16xf32>,
      %parallel_loop3A_287 = vector.shape_cast %parallel_loop3A_286 : vector<1x1x16xf32> to vector<16xf32>
      %parallel_loop3A_288 = arith.constant 4 : i32
      %parallel_loop3A_289 = arith.addi %parallel_loop3A_288, %parallel_loop3A_264 : i32
      %parallel_loop3A_290 = arith.index_cast %parallel_loop3A_289 : i32 to index
      %parallel_loop3A_291 = arith.index_cast %parallel_loop3A_224 : i32 to index
      %parallel_loop3A_292 = arith.index_cast %parallel_loop3A_282 : i32 to index
      %parallel_loop3A_293 = tpu.vector_load %arg9[%parallel_loop3A_290, %parallel_loop3A_291, %parallel_loop3A_292] {strides = array<i32>} : memref<16x8x512xf32, #tpu.memory_space<vmem>>, vector<1x1x16xf32>,
      %parallel_loop3A_294 = vector.shape_cast %parallel_loop3A_293 : vector<1x1x16xf32> to vector<16xf32>
      %parallel_loop3A_295 = vector.shape_cast %parallel_loop3A_287 : vector<16xf32> to vector<1x1x16xf32>
      tpu.vector_store %arg9[%parallel_loop3A_290, %parallel_loop3A_291, %parallel_loop3A_292], %parallel_loop3A_295 {strides = array<i32>} : memref<16x8x512xf32, #tpu.memory_space<vmem>>, vector<1x1x16xf32>,
      %parallel_loop3A_296 = arith.constant 4 : i32
      %parallel_loop3A_297 = arith.addi %parallel_loop3A_296, %parallel_loop3A_264 : i32
      %parallel_loop3A_298 = arith.index_cast %parallel_loop3A_224 : i32 to index
      %parallel_loop3A_299 = arith.index_cast %parallel_loop3A_297 : i32 to index
      %parallel_loop3A_300 = arith.index_cast %parallel_loop3A_282 : i32 to index
      %parallel_loop3A_301 = tpu.vector_load %arg11[%parallel_loop3A_298, %parallel_loop3A_299, %parallel_loop3A_300] {strides = array<i32>} : memref<8x8x512xf32, #tpu.memory_space<vmem>>, vector<1x1x16xf32>,
      %parallel_loop3A_302 = vector.shape_cast %parallel_loop3A_301 : vector<1x1x16xf32> to vector<16xf32>
      %parallel_loop3A_303 = arith.constant 11 : i32
      %parallel_loop3A_304 = arith.addi %parallel_loop3A_303, %parallel_loop3A_264 : i32
      %parallel_loop3A_305 = arith.index_cast %parallel_loop3A_304 : i32 to index
      %parallel_loop3A_306 = arith.index_cast %parallel_loop3A_224 : i32 to index
      %parallel_loop3A_307 = arith.index_cast %parallel_loop3A_282 : i32 to index
      %parallel_loop3A_308 = tpu.vector_load %arg9[%parallel_loop3A_305, %parallel_loop3A_306, %parallel_loop3A_307] {strides = array<i32>} : memref<16x8x512xf32, #tpu.memory_space<vmem>>, vector<1x1x16xf32>,
      %parallel_loop3A_309 = vector.shape_cast %parallel_loop3A_308 : vector<1x1x16xf32> to vector<16xf32>
      %parallel_loop3A_310 = vector.shape_cast %parallel_loop3A_302 : vector<16xf32> to vector<1x1x16xf32>
      tpu.vector_store %arg9[%parallel_loop3A_305, %parallel_loop3A_306, %parallel_loop3A_307], %parallel_loop3A_310 {strides = array<i32>} : memref<16x8x512xf32, #tpu.memory_space<vmem>>, vector<1x1x16xf32>,
    } {sc.loop_unroll_factor = 4 : i64, sc.parallel_access}
    %dma_start3A_64 = arith.constant 8 : i32
    %dma_start3A_65 = tpu.memref_slice %arg8[%dma_start3A_64] : memref<32xi32, #tpu.memory_space<vmem>> -> memref<8xi32, #tpu.memory_space<vmem>>
    %dma_start3A_66 = arith.constant 0 : i32
    %dma_start3A_67 = arith.constant 0 : i32
    %dma_start3A_68 = arith.constant 0 : i32
    %dma_start3A_69 = tpu.memref_slice %arg3[%dma_start3A_66, %dma_start3A_67, %dma_start3A_68] : memref<100000x8x512xf32, #tpu.memory_space<hbm>> -> memref<100000x8x512xf32, #tpu.memory_space<hbm>>
    tpu.enqueue_indirect_dma source(%dma_start3A_69 : memref<100000x8x512xf32, #tpu.memory_space<hbm>>) target(%arg11 : memref<8x8x512xf32, #tpu.memory_space<vmem>>) offsets(%dma_start3A_65 : memref<8xi32, #tpu.memory_space<vmem>>) semaphore(%arg13 : memref<!tpu.dma_semaphore, #tpu.memory_space<semaphore_mem>>)
    %add3A_70 = arith.constant 0 : i32
    %add3A_71 = arith.addi %mul3A_2, %add3A_70 : i32
    %dma_start3A_72 = arith.constant 0 : i32
    %dma_start3A_73 = arith.constant 0 : i32
    %dma_start3A_74 = tpu.memref_slice %arg7[%dma_start3A_72, %add3A_71, %dma_start3A_73] : memref<77x1024x512xf32, #tpu.memory_space<hbm>> -> memref<16x8x512xf32, #tpu.memory_space<hbm>>
    %dma_start3A_75 = arith.constant 0 : i32
    %dma_start3A_76 = arith.constant 0 : i32
    %dma_start3A_77 = tpu.memref_slice %arg7[%dma_start3A_75, %add3A_71, %dma_start3A_76] : memref<77x1024x512xf32, #tpu.memory_space<hbm>> -> memref<16x8x512xf32, #tpu.memory_space<hbm>>
    tpu.enqueue_dma source(%arg9 : memref<16x8x512xf32, #tpu.memory_space<vmem>>) target(%dma_start3A_77 : memref<16x8x512xf32, #tpu.memory_space<hbm>>) target_semaphore(%arg14 : memref<!tpu.dma_semaphore, #tpu.memory_space<semaphore_mem>>)
    %scan3A_78 = arith.constant 0 : i32
    %scan3A_79 = arith.constant 5 : i32
    %scan3A_80 = arith.constant 14 : i32
    %scan3A_81 = arith.addi %scan3A_79, %scan3A_80 : i32
    %scan3A_82 = arith.constant 1 : i32
    %scan3A_83 = scf.for %scan3A_200 = %scan3A_79 to %scan3A_81 step %scan3A_82 iter_args(%scan3A_201 = %scan3A_78) -> (i32)  : i32 {
      %add3A_202 = arith.constant 16 : i32
      %add3A_203 = arith.addi %add3A_202, %scan3A_200 : i32
      %dma_start3A_204 = arith.constant 0 : i32
      %dma_start3A_205 = tpu.memref_slice %arg7[%add3A_203, %mul3A_2, %dma_start3A_204] : memref<77x1024x512xf32, #tpu.memory_space<hbm>> -> memref<1x32x512xf32, #tpu.memory_space<hbm>>
      %dma_start3A_206 = tpu.memref_squeeze %dma_start3A_205 : memref<1x32x512xf32, #tpu.memory_space<hbm>> -> memref<32x512xf32, #tpu.memory_space<hbm>>
      %dma_start3A_207 = arith.constant 0 : i32
      %dma_start3A_208 = tpu.memref_slice %arg7[%add3A_203, %mul3A_2, %dma_start3A_207] : memref<77x1024x512xf32, #tpu.memory_space<hbm>> -> memref<1x32x512xf32, #tpu.memory_space<hbm>>
      %dma_start3A_209 = tpu.memref_squeeze %dma_start3A_208 : memref<1x32x512xf32, #tpu.memory_space<hbm>> -> memref<32x512xf32, #tpu.memory_space<hbm>>
      tpu.enqueue_dma source(%arg10 : memref<32x512xf32, #tpu.memory_space<vmem>>) target(%dma_start3A_209 : memref<32x512xf32, #tpu.memory_space<hbm>>) target_semaphore(%arg15 : memref<!tpu.dma_semaphore, #tpu.memory_space<semaphore_mem>>)
      %scan3A_210 = arith.constant 0 : i32
      scf.yield %scan3A_210 : i32
    }
    %scan3A_84 = arith.constant 14 : i32
    %dma_wait3A_85 = arith.constant 8 : i32
    %dma_wait3A_86 = tpu.memref_slice %arg8[%dma_wait3A_85] : memref<32xi32, #tpu.memory_space<vmem>> -> memref<8xi32, #tpu.memory_space<vmem>>
    %dma_wait3A_87 = arith.constant 0 : i32
    %dma_wait3A_88 = arith.constant 0 : i32
    %dma_wait3A_89 = arith.constant 0 : i32
    %dma_wait3A_90 = tpu.memref_slice %arg3[%dma_wait3A_87, %dma_wait3A_88, %dma_wait3A_89] : memref<100000x8x512xf32, #tpu.memory_space<hbm>> -> memref<100000x8x512xf32, #tpu.memory_space<hbm>>
    tpu.wait_indirect_dma semaphore(%arg13 : memref<!tpu.dma_semaphore, #tpu.memory_space<semaphore_mem>>) src(%dma_wait3A_90 : memref<100000x8x512xf32, #tpu.memory_space<hbm>>) dst(%arg11 : memref<8x8x512xf32, #tpu.memory_space<vmem>>)
    %dma_wait3A_91 = arith.constant 0 : i32
    %dma_wait3A_92 = arith.constant 0 : i32
    %dma_wait3A_93 = tpu.memref_slice %arg7[%dma_wait3A_91, %add3A_71, %dma_wait3A_92] : memref<77x1024x512xf32, #tpu.memory_space<hbm>> -> memref<16x8x512xf32, #tpu.memory_space<hbm>>
    %dma_wait3A_94 = arith.constant 0 : i32
    %dma_wait3A_95 = arith.constant 0 : i32
    %dma_wait3A_96 = tpu.memref_slice %arg7[%dma_wait3A_94, %add3A_71, %dma_wait3A_95] : memref<77x1024x512xf32, #tpu.memory_space<hbm>> -> memref<16x8x512xf32, #tpu.memory_space<hbm>>
    tpu.wait_dma2 semaphore(%arg14 : memref<!tpu.dma_semaphore, #tpu.memory_space<semaphore_mem>>) src(%arg9 : memref<16x8x512xf32, #tpu.memory_space<vmem>>) dst(%dma_wait3A_96 : memref<16x8x512xf32, #tpu.memory_space<hbm>>)
    %parallel_loop3A_97 = arith.constant 0 : i32
    %parallel_loop3A_98 = arith.constant 1024 : i32
    %parallel_loop3A_99 = arith.constant 1 : i32
    scf.for %parallel_loop3A_200 = %parallel_loop3A_97 to %parallel_loop3A_98 step %parallel_loop3A_99  : i32 {
      %parallel_loop3A_201 = arith.constant 128 : i32
      %parallel_loop3A_202 = arith.divsi %parallel_loop3A_200, %parallel_loop3A_201 : i32
      %parallel_loop3A_203 = arith.constant 0 : i32
      %parallel_loop3A_204 = arith.cmpi sgt, %parallel_loop3A_200, %parallel_loop3A_203 : i32
      %parallel_loop3A_205 = arith.extui %parallel_loop3A_204 : i1 to i32
      %parallel_loop3A_206 = arith.constant 0 : i32
      %parallel_loop3A_207 = arith.cmpi slt, %parallel_loop3A_200, %parallel_loop3A_206 : i32
      %parallel_loop3A_208 = arith.extui %parallel_loop3A_207 : i1 to i32
      %parallel_loop3A_209 = arith.subi %parallel_loop3A_205, %parallel_loop3A_208 : i32
      %parallel_loop3A_210 = arith.constant 0 : i32
      %parallel_loop3A_211 = arith.cmpi sgt, %parallel_loop3A_201, %parallel_loop3A_210 : i32
      %parallel_loop3A_212 = arith.extui %parallel_loop3A_211 : i1 to i32
      %parallel_loop3A_213 = arith.constant 0 : i32
      %parallel_loop3A_214 = arith.cmpi slt, %parallel_loop3A_201, %parallel_loop3A_213 : i32
      %parallel_loop3A_215 = arith.extui %parallel_loop3A_214 : i1 to i32
      %parallel_loop3A_216 = arith.subi %parallel_loop3A_212, %parallel_loop3A_215 : i32
      %parallel_loop3A_217 = arith.cmpi ne, %parallel_loop3A_209, %parallel_loop3A_216 : i32
      %parallel_loop3A_218 = arith.remsi %parallel_loop3A_200, %parallel_loop3A_201 : i32
      %parallel_loop3A_219 = arith.constant 0 : i32
      %parallel_loop3A_220 = arith.cmpi ne, %parallel_loop3A_218, %parallel_loop3A_219 : i32
      %parallel_loop3A_221 = arith.andi %parallel_loop3A_217, %parallel_loop3A_220 : i1
      %parallel_loop3A_222 = arith.constant 1 : i32
      %parallel_loop3A_223 = arith.subi %parallel_loop3A_202, %parallel_loop3A_222 : i32
      %parallel_loop3A_224 = arith.select %parallel_loop3A_221, %parallel_loop3A_223, %parallel_loop3A_202 : i32
      %parallel_loop3A_225 = arith.constant 128 : i32
      %parallel_loop3A_226 = arith.constant 0 : i32
      %parallel_loop3A_227 = arith.cmpi eq, %parallel_loop3A_225, %parallel_loop3A_226 : i32
      %parallel_loop3A_228 = arith.constant 1 : i32
      %parallel_loop3A_229 = arith.select %parallel_loop3A_227, %parallel_loop3A_228, %parallel_loop3A_225 : i32
      %parallel_loop3A_230 = arith.remsi %parallel_loop3A_200, %parallel_loop3A_229 : i32
      %parallel_loop3A_231 = arith.constant 0 : i32
      %parallel_loop3A_232 = arith.cmpi ne, %parallel_loop3A_230, %parallel_loop3A_231 : i32
      %parallel_loop3A_233 = arith.constant 0 : i32
      %parallel_loop3A_234 = arith.cmpi slt, %parallel_loop3A_230, %parallel_loop3A_233 : i32
      %parallel_loop3A_235 = arith.constant 0 : i32
      %parallel_loop3A_236 = arith.cmpi slt, %parallel_loop3A_229, %parallel_loop3A_235 : i32
      %parallel_loop3A_237 = arith.xori %parallel_loop3A_234, %parallel_loop3A_236 : i1
      %parallel_loop3A_238 = arith.andi %parallel_loop3A_237, %parallel_loop3A_232 : i1
      %parallel_loop3A_239 = arith.addi %parallel_loop3A_230, %parallel_loop3A_229 : i32
      %parallel_loop3A_240 = arith.select %parallel_loop3A_238, %parallel_loop3A_239, %parallel_loop3A_230 : i32
      %parallel_loop3A_241 = arith.constant 32 : i32
      %parallel_loop3A_242 = arith.divsi %parallel_loop3A_240, %parallel_loop3A_241 : i32
      %parallel_loop3A_243 = arith.constant 0 : i32
      %parallel_loop3A_244 = arith.cmpi sgt, %parallel_loop3A_240, %parallel_loop3A_243 : i32
      %parallel_loop3A_245 = arith.extui %parallel_loop3A_244 : i1 to i32
      %parallel_loop3A_246 = arith.constant 0 : i32
      %parallel_loop3A_247 = arith.cmpi slt, %parallel_loop3A_240, %parallel_loop3A_246 : i32
      %parallel_loop3A_248 = arith.extui %parallel_loop3A_247 : i1 to i32
      %parallel_loop3A_249 = arith.subi %parallel_loop3A_245, %parallel_loop3A_248 : i32
      %parallel_loop3A_250 = arith.constant 0 : i32
      %parallel_loop3A_251 = arith.cmpi sgt, %parallel_loop3A_241, %parallel_loop3A_250 : i32
      %parallel_loop3A_252 = arith.extui %parallel_loop3A_251 : i1 to i32
      %parallel_loop3A_253 = arith.constant 0 : i32
      %parallel_loop3A_254 = arith.cmpi slt, %parallel_loop3A_241, %parallel_loop3A_253 : i32
      %parallel_loop3A_255 = arith.extui %parallel_loop3A_254 : i1 to i32
      %parallel_loop3A_256 = arith.subi %parallel_loop3A_252, %parallel_loop3A_255 : i32
      %parallel_loop3A_257 = arith.cmpi ne, %parallel_loop3A_249, %parallel_loop3A_256 : i32
      %parallel_loop3A_258 = arith.remsi %parallel_loop3A_240, %parallel_loop3A_241 : i32
      %parallel_loop3A_259 = arith.constant 0 : i32
      %parallel_loop3A_260 = arith.cmpi ne, %parallel_loop3A_258, %parallel_loop3A_259 : i32
      %parallel_loop3A_261 = arith.andi %parallel_loop3A_257, %parallel_loop3A_260 : i1
      %parallel_loop3A_262 = arith.constant 1 : i32
      %parallel_loop3A_263 = arith.subi %parallel_loop3A_242, %parallel_loop3A_262 : i32
      %parallel_loop3A_264 = arith.select %parallel_loop3A_261, %parallel_loop3A_263, %parallel_loop3A_242 : i32
      %parallel_loop3A_265 = arith.constant 32 : i32
      %parallel_loop3A_266 = arith.constant 0 : i32
      %parallel_loop3A_267 = arith.cmpi eq, %parallel_loop3A_265, %parallel_loop3A_266 : i32
      %parallel_loop3A_268 = arith.constant 1 : i32
      %parallel_loop3A_269 = arith.select %parallel_loop3A_267, %parallel_loop3A_268, %parallel_loop3A_265 : i32
      %parallel_loop3A_270 = arith.remsi %parallel_loop3A_240, %parallel_loop3A_269 : i32
      %parallel_loop3A_271 = arith.constant 0 : i32
      %parallel_loop3A_272 = arith.cmpi ne, %parallel_loop3A_270, %parallel_loop3A_271 : i32
      %parallel_loop3A_273 = arith.constant 0 : i32
      %parallel_loop3A_274 = arith.cmpi slt, %parallel_loop3A_270, %parallel_loop3A_273 : i32
      %parallel_loop3A_275 = arith.constant 0 : i32
      %parallel_loop3A_276 = arith.cmpi slt, %parallel_loop3A_269, %parallel_loop3A_275 : i32
      %parallel_loop3A_277 = arith.xori %parallel_loop3A_274, %parallel_loop3A_276 : i1
      %parallel_loop3A_278 = arith.andi %parallel_loop3A_277, %parallel_loop3A_272 : i1
      %parallel_loop3A_279 = arith.addi %parallel_loop3A_270, %parallel_loop3A_269 : i32
      %parallel_loop3A_280 = arith.select %parallel_loop3A_278, %parallel_loop3A_279, %parallel_loop3A_270 : i32
      %parallel_loop3A_281 = arith.constant 16 : i32
      %parallel_loop3A_282 = arith.muli %parallel_loop3A_280, %parallel_loop3A_281 : i32
      %parallel_loop3A_283 = arith.index_cast %parallel_loop3A_224 : i32 to index
      %parallel_loop3A_284 = arith.index_cast %parallel_loop3A_264 : i32 to index
      %parallel_loop3A_285 = arith.index_cast %parallel_loop3A_282 : i32 to index
      %parallel_loop3A_286 = tpu.vector_load %arg11[%parallel_loop3A_283, %parallel_loop3A_284, %parallel_loop3A_285] {strides = array<i32>} : memref<8x8x512xf32, #tpu.memory_space<vmem>>, vector<1x1x16xf32>,
      %parallel_loop3A_287 = vector.shape_cast %parallel_loop3A_286 : vector<1x1x16xf32> to vector<16xf32>
      %parallel_loop3A_288 = arith.constant 4 : i32
      %parallel_loop3A_289 = arith.addi %parallel_loop3A_288, %parallel_loop3A_264 : i32
      %parallel_loop3A_290 = arith.index_cast %parallel_loop3A_289 : i32 to index
      %parallel_loop3A_291 = arith.index_cast %parallel_loop3A_224 : i32 to index
      %parallel_loop3A_292 = arith.index_cast %parallel_loop3A_282 : i32 to index
      %parallel_loop3A_293 = tpu.vector_load %arg9[%parallel_loop3A_290, %parallel_loop3A_291, %parallel_loop3A_292] {strides = array<i32>} : memref<16x8x512xf32, #tpu.memory_space<vmem>>, vector<1x1x16xf32>,
      %parallel_loop3A_294 = vector.shape_cast %parallel_loop3A_293 : vector<1x1x16xf32> to vector<16xf32>
      %parallel_loop3A_295 = vector.shape_cast %parallel_loop3A_287 : vector<16xf32> to vector<1x1x16xf32>
      tpu.vector_store %arg9[%parallel_loop3A_290, %parallel_loop3A_291, %parallel_loop3A_292], %parallel_loop3A_295 {strides = array<i32>} : memref<16x8x512xf32, #tpu.memory_space<vmem>>, vector<1x1x16xf32>,
      %parallel_loop3A_296 = arith.constant 4 : i32
      %parallel_loop3A_297 = arith.addi %parallel_loop3A_296, %parallel_loop3A_264 : i32
      %parallel_loop3A_298 = arith.index_cast %parallel_loop3A_224 : i32 to index
      %parallel_loop3A_299 = arith.index_cast %parallel_loop3A_297 : i32 to index
      %parallel_loop3A_300 = arith.index_cast %parallel_loop3A_282 : i32 to index
      %parallel_loop3A_301 = tpu.vector_load %arg11[%parallel_loop3A_298, %parallel_loop3A_299, %parallel_loop3A_300] {strides = array<i32>} : memref<8x8x512xf32, #tpu.memory_space<vmem>>, vector<1x1x16xf32>,
      %parallel_loop3A_302 = vector.shape_cast %parallel_loop3A_301 : vector<1x1x16xf32> to vector<16xf32>
      %parallel_loop3A_303 = arith.constant 11 : i32
      %parallel_loop3A_304 = arith.addi %parallel_loop3A_303, %parallel_loop3A_264 : i32
      %parallel_loop3A_305 = arith.index_cast %parallel_loop3A_304 : i32 to index
      %parallel_loop3A_306 = arith.index_cast %parallel_loop3A_224 : i32 to index
      %parallel_loop3A_307 = arith.index_cast %parallel_loop3A_282 : i32 to index
      %parallel_loop3A_308 = tpu.vector_load %arg9[%parallel_loop3A_305, %parallel_loop3A_306, %parallel_loop3A_307] {strides = array<i32>} : memref<16x8x512xf32, #tpu.memory_space<vmem>>, vector<1x1x16xf32>,
      %parallel_loop3A_309 = vector.shape_cast %parallel_loop3A_308 : vector<1x1x16xf32> to vector<16xf32>
      %parallel_loop3A_310 = vector.shape_cast %parallel_loop3A_302 : vector<16xf32> to vector<1x1x16xf32>
      tpu.vector_store %arg9[%parallel_loop3A_305, %parallel_loop3A_306, %parallel_loop3A_307], %parallel_loop3A_310 {strides = array<i32>} : memref<16x8x512xf32, #tpu.memory_space<vmem>>, vector<1x1x16xf32>,
    } {sc.loop_unroll_factor = 4 : i64, sc.parallel_access}
    %dma_start3A_100 = arith.constant 16 : i32
    %dma_start3A_101 = tpu.memref_slice %arg8[%dma_start3A_100] : memref<32xi32, #tpu.memory_space<vmem>> -> memref<8xi32, #tpu.memory_space<vmem>>
    %dma_start3A_102 = arith.constant 0 : i32
    %dma_start3A_103 = arith.constant 0 : i32
    %dma_start3A_104 = arith.constant 0 : i32
    %dma_start3A_105 = tpu.memref_slice %arg3[%dma_start3A_102, %dma_start3A_103, %dma_start3A_104] : memref<100000x8x512xf32, #tpu.memory_space<hbm>> -> memref<100000x8x512xf32, #tpu.memory_space<hbm>>
    tpu.enqueue_indirect_dma source(%dma_start3A_105 : memref<100000x8x512xf32, #tpu.memory_space<hbm>>) target(%arg11 : memref<8x8x512xf32, #tpu.memory_space<vmem>>) offsets(%dma_start3A_101 : memref<8xi32, #tpu.memory_space<vmem>>) semaphore(%arg13 : memref<!tpu.dma_semaphore, #tpu.memory_space<semaphore_mem>>)
    %add3A_106 = arith.constant 8 : i32
    %add3A_107 = arith.addi %mul3A_2, %add3A_106 : i32
    %dma_start3A_108 = arith.constant 0 : i32
    %dma_start3A_109 = arith.constant 0 : i32
    %dma_start3A_110 = tpu.memref_slice %arg7[%dma_start3A_108, %add3A_107, %dma_start3A_109] : memref<77x1024x512xf32, #tpu.memory_space<hbm>> -> memref<16x8x512xf32, #tpu.memory_space<hbm>>
    %dma_start3A_111 = arith.constant 0 : i32
    %dma_start3A_112 = arith.constant 0 : i32
    %dma_start3A_113 = tpu.memref_slice %arg7[%dma_start3A_111, %add3A_107, %dma_start3A_112] : memref<77x1024x512xf32, #tpu.memory_space<hbm>> -> memref<16x8x512xf32, #tpu.memory_space<hbm>>
    tpu.enqueue_dma source(%arg9 : memref<16x8x512xf32, #tpu.memory_space<vmem>>) target(%dma_start3A_113 : memref<16x8x512xf32, #tpu.memory_space<hbm>>) target_semaphore(%arg14 : memref<!tpu.dma_semaphore, #tpu.memory_space<semaphore_mem>>)
    %scan3A_114 = arith.constant 0 : i32
    %scan3A_115 = arith.constant 19 : i32
    %scan3A_116 = arith.constant 14 : i32
    %scan3A_117 = arith.addi %scan3A_115, %scan3A_116 : i32
    %scan3A_118 = arith.constant 1 : i32
    %scan3A_119 = scf.for %scan3A_200 = %scan3A_115 to %scan3A_117 step %scan3A_118 iter_args(%scan3A_201 = %scan3A_114) -> (i32)  : i32 {
      %add3A_202 = arith.constant 16 : i32
      %add3A_203 = arith.addi %add3A_202, %scan3A_200 : i32
      %dma_start3A_204 = arith.constant 0 : i32
      %dma_start3A_205 = tpu.memref_slice %arg7[%add3A_203, %mul3A_2, %dma_start3A_204] : memref<77x1024x512xf32, #tpu.memory_space<hbm>> -> memref<1x32x512xf32, #tpu.memory_space<hbm>>
      %dma_start3A_206 = tpu.memref_squeeze %dma_start3A_205 : memref<1x32x512xf32, #tpu.memory_space<hbm>> -> memref<32x512xf32, #tpu.memory_space<hbm>>
      %dma_start3A_207 = arith.constant 0 : i32
      %dma_start3A_208 = tpu.memref_slice %arg7[%add3A_203, %mul3A_2, %dma_start3A_207] : memref<77x1024x512xf32, #tpu.memory_space<hbm>> -> memref<1x32x512xf32, #tpu.memory_space<hbm>>
      %dma_start3A_209 = tpu.memref_squeeze %dma_start3A_208 : memref<1x32x512xf32, #tpu.memory_space<hbm>> -> memref<32x512xf32, #tpu.memory_space<hbm>>
      tpu.enqueue_dma source(%arg10 : memref<32x512xf32, #tpu.memory_space<vmem>>) target(%dma_start3A_209 : memref<32x512xf32, #tpu.memory_space<hbm>>) target_semaphore(%arg15 : memref<!tpu.dma_semaphore, #tpu.memory_space<semaphore_mem>>)
      %scan3A_210 = arith.constant 0 : i32
      scf.yield %scan3A_210 : i32
    }
    %scan3A_120 = arith.constant 14 : i32
    %dma_wait3A_121 = arith.constant 16 : i32
    %dma_wait3A_122 = tpu.memref_slice %arg8[%dma_wait3A_121] : memref<32xi32, #tpu.memory_space<vmem>> -> memref<8xi32, #tpu.memory_space<vmem>>
    %dma_wait3A_123 = arith.constant 0 : i32
    %dma_wait3A_124 = arith.constant 0 : i32
    %dma_wait3A_125 = arith.constant 0 : i32
    %dma_wait3A_126 = tpu.memref_slice %arg3[%dma_wait3A_123, %dma_wait3A_124, %dma_wait3A_125] : memref<100000x8x512xf32, #tpu.memory_space<hbm>> -> memref<100000x8x512xf32, #tpu.memory_space<hbm>>
    tpu.wait_indirect_dma semaphore(%arg13 : memref<!tpu.dma_semaphore, #tpu.memory_space<semaphore_mem>>) src(%dma_wait3A_126 : memref<100000x8x512xf32, #tpu.memory_space<hbm>>) dst(%arg11 : memref<8x8x512xf32, #tpu.memory_space<vmem>>)
    %dma_wait3A_127 = arith.constant 0 : i32
    %dma_wait3A_128 = arith.constant 0 : i32
    %dma_wait3A_129 = tpu.memref_slice %arg7[%dma_wait3A_127, %add3A_107, %dma_wait3A_128] : memref<77x1024x512xf32, #tpu.memory_space<hbm>> -> memref<16x8x512xf32, #tpu.memory_space<hbm>>
    %dma_wait3A_130 = arith.constant 0 : i32
    %dma_wait3A_131 = arith.constant 0 : i32
    %dma_wait3A_132 = tpu.memref_slice %arg7[%dma_wait3A_130, %add3A_107, %dma_wait3A_131] : memref<77x1024x512xf32, #tpu.memory_space<hbm>> -> memref<16x8x512xf32, #tpu.memory_space<hbm>>
    tpu.wait_dma2 semaphore(%arg14 : memref<!tpu.dma_semaphore, #tpu.memory_space<semaphore_mem>>) src(%arg9 : memref<16x8x512xf32, #tpu.memory_space<vmem>>) dst(%dma_wait3A_132 : memref<16x8x512xf32, #tpu.memory_space<hbm>>)
    %parallel_loop3A_133 = arith.constant 0 : i32
    %parallel_loop3A_134 = arith.constant 1024 : i32
    %parallel_loop3A_135 = arith.constant 1 : i32
    scf.for %parallel_loop3A_200 = %parallel_loop3A_133 to %parallel_loop3A_134 step %parallel_loop3A_135  : i32 {
      %parallel_loop3A_201 = arith.constant 128 : i32
      %parallel_loop3A_202 = arith.divsi %parallel_loop3A_200, %parallel_loop3A_201 : i32
      %parallel_loop3A_203 = arith.constant 0 : i32
      %parallel_loop3A_204 = arith.cmpi sgt, %parallel_loop3A_200, %parallel_loop3A_203 : i32
      %parallel_loop3A_205 = arith.extui %parallel_loop3A_204 : i1 to i32
      %parallel_loop3A_206 = arith.constant 0 : i32
      %parallel_loop3A_207 = arith.cmpi slt, %parallel_loop3A_200, %parallel_loop3A_206 : i32
      %parallel_loop3A_208 = arith.extui %parallel_loop3A_207 : i1 to i32
      %parallel_loop3A_209 = arith.subi %parallel_loop3A_205, %parallel_loop3A_208 : i32
      %parallel_loop3A_210 = arith.constant 0 : i32
      %parallel_loop3A_211 = arith.cmpi sgt, %parallel_loop3A_201, %parallel_loop3A_210 : i32
      %parallel_loop3A_212 = arith.extui %parallel_loop3A_211 : i1 to i32
      %parallel_loop3A_213 = arith.constant 0 : i32
      %parallel_loop3A_214 = arith.cmpi slt, %parallel_loop3A_201, %parallel_loop3A_213 : i32
      %parallel_loop3A_215 = arith.extui %parallel_loop3A_214 : i1 to i32
      %parallel_loop3A_216 = arith.subi %parallel_loop3A_212, %parallel_loop3A_215 : i32
      %parallel_loop3A_217 = arith.cmpi ne, %parallel_loop3A_209, %parallel_loop3A_216 : i32
      %parallel_loop3A_218 = arith.remsi %parallel_loop3A_200, %parallel_loop3A_201 : i32
      %parallel_loop3A_219 = arith.constant 0 : i32
      %parallel_loop3A_220 = arith.cmpi ne, %parallel_loop3A_218, %parallel_loop3A_219 : i32
      %parallel_loop3A_221 = arith.andi %parallel_loop3A_217, %parallel_loop3A_220 : i1
      %parallel_loop3A_222 = arith.constant 1 : i32
      %parallel_loop3A_223 = arith.subi %parallel_loop3A_202, %parallel_loop3A_222 : i32
      %parallel_loop3A_224 = arith.select %parallel_loop3A_221, %parallel_loop3A_223, %parallel_loop3A_202 : i32
      %parallel_loop3A_225 = arith.constant 128 : i32
      %parallel_loop3A_226 = arith.constant 0 : i32
      %parallel_loop3A_227 = arith.cmpi eq, %parallel_loop3A_225, %parallel_loop3A_226 : i32
      %parallel_loop3A_228 = arith.constant 1 : i32
      %parallel_loop3A_229 = arith.select %parallel_loop3A_227, %parallel_loop3A_228, %parallel_loop3A_225 : i32
      %parallel_loop3A_230 = arith.remsi %parallel_loop3A_200, %parallel_loop3A_229 : i32
      %parallel_loop3A_231 = arith.constant 0 : i32
      %parallel_loop3A_232 = arith.cmpi ne, %parallel_loop3A_230, %parallel_loop3A_231 : i32
      %parallel_loop3A_233 = arith.constant 0 : i32
      %parallel_loop3A_234 = arith.cmpi slt, %parallel_loop3A_230, %parallel_loop3A_233 : i32
      %parallel_loop3A_235 = arith.constant 0 : i32
      %parallel_loop3A_236 = arith.cmpi slt, %parallel_loop3A_229, %parallel_loop3A_235 : i32
      %parallel_loop3A_237 = arith.xori %parallel_loop3A_234, %parallel_loop3A_236 : i1
      %parallel_loop3A_238 = arith.andi %parallel_loop3A_237, %parallel_loop3A_232 : i1
      %parallel_loop3A_239 = arith.addi %parallel_loop3A_230, %parallel_loop3A_229 : i32
      %parallel_loop3A_240 = arith.select %parallel_loop3A_238, %parallel_loop3A_239, %parallel_loop3A_230 : i32
      %parallel_loop3A_241 = arith.constant 32 : i32
      %parallel_loop3A_242 = arith.divsi %parallel_loop3A_240, %parallel_loop3A_241 : i32
      %parallel_loop3A_243 = arith.constant 0 : i32
      %parallel_loop3A_244 = arith.cmpi sgt, %parallel_loop3A_240, %parallel_loop3A_243 : i32
      %parallel_loop3A_245 = arith.extui %parallel_loop3A_244 : i1 to i32
      %parallel_loop3A_246 = arith.constant 0 : i32
      %parallel_loop3A_247 = arith.cmpi slt, %parallel_loop3A_240, %parallel_loop3A_246 : i32
      %parallel_loop3A_248 = arith.extui %parallel_loop3A_247 : i1 to i32
      %parallel_loop3A_249 = arith.subi %parallel_loop3A_245, %parallel_loop3A_248 : i32
      %parallel_loop3A_250 = arith.constant 0 : i32
      %parallel_loop3A_251 = arith.cmpi sgt, %parallel_loop3A_241, %parallel_loop3A_250 : i32
      %parallel_loop3A_252 = arith.extui %parallel_loop3A_251 : i1 to i32
      %parallel_loop3A_253 = arith.constant 0 : i32
      %parallel_loop3A_254 = arith.cmpi slt, %parallel_loop3A_241, %parallel_loop3A_253 : i32
      %parallel_loop3A_255 = arith.extui %parallel_loop3A_254 : i1 to i32
      %parallel_loop3A_256 = arith.subi %parallel_loop3A_252, %parallel_loop3A_255 : i32
      %parallel_loop3A_257 = arith.cmpi ne, %parallel_loop3A_249, %parallel_loop3A_256 : i32
      %parallel_loop3A_258 = arith.remsi %parallel_loop3A_240, %parallel_loop3A_241 : i32
      %parallel_loop3A_259 = arith.constant 0 : i32
      %parallel_loop3A_260 = arith.cmpi ne, %parallel_loop3A_258, %parallel_loop3A_259 : i32
      %parallel_loop3A_261 = arith.andi %parallel_loop3A_257, %parallel_loop3A_260 : i1
      %parallel_loop3A_262 = arith.constant 1 : i32
      %parallel_loop3A_263 = arith.subi %parallel_loop3A_242, %parallel_loop3A_262 : i32
      %parallel_loop3A_264 = arith.select %parallel_loop3A_261, %parallel_loop3A_263, %parallel_loop3A_242 : i32
      %parallel_loop3A_265 = arith.constant 32 : i32
      %parallel_loop3A_266 = arith.constant 0 : i32
      %parallel_loop3A_267 = arith.cmpi eq, %parallel_loop3A_265, %parallel_loop3A_266 : i32
      %parallel_loop3A_268 = arith.constant 1 : i32
      %parallel_loop3A_269 = arith.select %parallel_loop3A_267, %parallel_loop3A_268, %parallel_loop3A_265 : i32
      %parallel_loop3A_270 = arith.remsi %parallel_loop3A_240, %parallel_loop3A_269 : i32
      %parallel_loop3A_271 = arith.constant 0 : i32
      %parallel_loop3A_272 = arith.cmpi ne, %parallel_loop3A_270, %parallel_loop3A_271 : i32
      %parallel_loop3A_273 = arith.constant 0 : i32
      %parallel_loop3A_274 = arith.cmpi slt, %parallel_loop3A_270, %parallel_loop3A_273 : i32
      %parallel_loop3A_275 = arith.constant 0 : i32
      %parallel_loop3A_276 = arith.cmpi slt, %parallel_loop3A_269, %parallel_loop3A_275 : i32
      %parallel_loop3A_277 = arith.xori %parallel_loop3A_274, %parallel_loop3A_276 : i1
      %parallel_loop3A_278 = arith.andi %parallel_loop3A_277, %parallel_loop3A_272 : i1
      %parallel_loop3A_279 = arith.addi %parallel_loop3A_270, %parallel_loop3A_269 : i32
      %parallel_loop3A_280 = arith.select %parallel_loop3A_278, %parallel_loop3A_279, %parallel_loop3A_270 : i32
      %parallel_loop3A_281 = arith.constant 16 : i32
      %parallel_loop3A_282 = arith.muli %parallel_loop3A_280, %parallel_loop3A_281 : i32
      %parallel_loop3A_283 = arith.index_cast %parallel_loop3A_224 : i32 to index
      %parallel_loop3A_284 = arith.index_cast %parallel_loop3A_264 : i32 to index
      %parallel_loop3A_285 = arith.index_cast %parallel_loop3A_282 : i32 to index
      %parallel_loop3A_286 = tpu.vector_load %arg11[%parallel_loop3A_283, %parallel_loop3A_284, %parallel_loop3A_285] {strides = array<i32>} : memref<8x8x512xf32, #tpu.memory_space<vmem>>, vector<1x1x16xf32>,
      %parallel_loop3A_287 = vector.shape_cast %parallel_loop3A_286 : vector<1x1x16xf32> to vector<16xf32>
      %parallel_loop3A_288 = arith.constant 4 : i32
      %parallel_loop3A_289 = arith.addi %parallel_loop3A_288, %parallel_loop3A_264 : i32
      %parallel_loop3A_290 = arith.index_cast %parallel_loop3A_289 : i32 to index
      %parallel_loop3A_291 = arith.index_cast %parallel_loop3A_224 : i32 to index
      %parallel_loop3A_292 = arith.index_cast %parallel_loop3A_282 : i32 to index
      %parallel_loop3A_293 = tpu.vector_load %arg9[%parallel_loop3A_290, %parallel_loop3A_291, %parallel_loop3A_292] {strides = array<i32>} : memref<16x8x512xf32, #tpu.memory_space<vmem>>, vector<1x1x16xf32>,
      %parallel_loop3A_294 = vector.shape_cast %parallel_loop3A_293 : vector<1x1x16xf32> to vector<16xf32>
      %parallel_loop3A_295 = vector.shape_cast %parallel_loop3A_287 : vector<16xf32> to vector<1x1x16xf32>
      tpu.vector_store %arg9[%parallel_loop3A_290, %parallel_loop3A_291, %parallel_loop3A_292], %parallel_loop3A_295 {strides = array<i32>} : memref<16x8x512xf32, #tpu.memory_space<vmem>>, vector<1x1x16xf32>,
      %parallel_loop3A_296 = arith.constant 4 : i32
      %parallel_loop3A_297 = arith.addi %parallel_loop3A_296, %parallel_loop3A_264 : i32
      %parallel_loop3A_298 = arith.index_cast %parallel_loop3A_224 : i32 to index
      %parallel_loop3A_299 = arith.index_cast %parallel_loop3A_297 : i32 to index
      %parallel_loop3A_300 = arith.index_cast %parallel_loop3A_282 : i32 to index
      %parallel_loop3A_301 = tpu.vector_load %arg11[%parallel_loop3A_298, %parallel_loop3A_299, %parallel_loop3A_300] {strides = array<i32>} : memref<8x8x512xf32, #tpu.memory_space<vmem>>, vector<1x1x16xf32>,
      %parallel_loop3A_302 = vector.shape_cast %parallel_loop3A_301 : vector<1x1x16xf32> to vector<16xf32>
      %parallel_loop3A_303 = arith.constant 11 : i32
      %parallel_loop3A_304 = arith.addi %parallel_loop3A_303, %parallel_loop3A_264 : i32
      %parallel_loop3A_305 = arith.index_cast %parallel_loop3A_304 : i32 to index
      %parallel_loop3A_306 = arith.index_cast %parallel_loop3A_224 : i32 to index
      %parallel_loop3A_307 = arith.index_cast %parallel_loop3A_282 : i32 to index
      %parallel_loop3A_308 = tpu.vector_load %arg9[%parallel_loop3A_305, %parallel_loop3A_306, %parallel_loop3A_307] {strides = array<i32>} : memref<16x8x512xf32, #tpu.memory_space<vmem>>, vector<1x1x16xf32>,
      %parallel_loop3A_309 = vector.shape_cast %parallel_loop3A_308 : vector<1x1x16xf32> to vector<16xf32>
      %parallel_loop3A_310 = vector.shape_cast %parallel_loop3A_302 : vector<16xf32> to vector<1x1x16xf32>
      tpu.vector_store %arg9[%parallel_loop3A_305, %parallel_loop3A_306, %parallel_loop3A_307], %parallel_loop3A_310 {strides = array<i32>} : memref<16x8x512xf32, #tpu.memory_space<vmem>>, vector<1x1x16xf32>,
    } {sc.loop_unroll_factor = 4 : i64, sc.parallel_access}
    %dma_start3A_136 = arith.constant 24 : i32
    %dma_start3A_137 = tpu.memref_slice %arg8[%dma_start3A_136] : memref<32xi32, #tpu.memory_space<vmem>> -> memref<8xi32, #tpu.memory_space<vmem>>
    %dma_start3A_138 = arith.constant 0 : i32
    %dma_start3A_139 = arith.constant 0 : i32
    %dma_start3A_140 = arith.constant 0 : i32
    %dma_start3A_141 = tpu.memref_slice %arg3[%dma_start3A_138, %dma_start3A_139, %dma_start3A_140] : memref<100000x8x512xf32, #tpu.memory_space<hbm>> -> memref<100000x8x512xf32, #tpu.memory_space<hbm>>
    tpu.enqueue_indirect_dma source(%dma_start3A_141 : memref<100000x8x512xf32, #tpu.memory_space<hbm>>) target(%arg11 : memref<8x8x512xf32, #tpu.memory_space<vmem>>) offsets(%dma_start3A_137 : memref<8xi32, #tpu.memory_space<vmem>>) semaphore(%arg13 : memref<!tpu.dma_semaphore, #tpu.memory_space<semaphore_mem>>)
    %add3A_142 = arith.constant 16 : i32
    %add3A_143 = arith.addi %mul3A_2, %add3A_142 : i32
    %dma_start3A_144 = arith.constant 0 : i32
    %dma_start3A_145 = arith.constant 0 : i32
    %dma_start3A_146 = tpu.memref_slice %arg7[%dma_start3A_144, %add3A_143, %dma_start3A_145] : memref<77x1024x512xf32, #tpu.memory_space<hbm>> -> memref<16x8x512xf32, #tpu.memory_space<hbm>>
    %dma_start3A_147 = arith.constant 0 : i32
    %dma_start3A_148 = arith.constant 0 : i32
    %dma_start3A_149 = tpu.memref_slice %arg7[%dma_start3A_147, %add3A_143, %dma_start3A_148] : memref<77x1024x512xf32, #tpu.memory_space<hbm>> -> memref<16x8x512xf32, #tpu.memory_space<hbm>>
    tpu.enqueue_dma source(%arg9 : memref<16x8x512xf32, #tpu.memory_space<vmem>>) target(%dma_start3A_149 : memref<16x8x512xf32, #tpu.memory_space<hbm>>) target_semaphore(%arg14 : memref<!tpu.dma_semaphore, #tpu.memory_space<semaphore_mem>>)
    %scan3A_150 = arith.constant 0 : i32
    %scan3A_151 = arith.constant 33 : i32
    %scan3A_152 = arith.constant 14 : i32
    %scan3A_153 = arith.addi %scan3A_151, %scan3A_152 : i32
    %scan3A_154 = arith.constant 1 : i32
    %scan3A_155 = scf.for %scan3A_200 = %scan3A_151 to %scan3A_153 step %scan3A_154 iter_args(%scan3A_201 = %scan3A_150) -> (i32)  : i32 {
      %add3A_202 = arith.constant 16 : i32
      %add3A_203 = arith.addi %add3A_202, %scan3A_200 : i32
      %dma_start3A_204 = arith.constant 0 : i32
      %dma_start3A_205 = tpu.memref_slice %arg7[%add3A_203, %mul3A_2, %dma_start3A_204] : memref<77x1024x512xf32, #tpu.memory_space<hbm>> -> memref<1x32x512xf32, #tpu.memory_space<hbm>>
      %dma_start3A_206 = tpu.memref_squeeze %dma_start3A_205 : memref<1x32x512xf32, #tpu.memory_space<hbm>> -> memref<32x512xf32, #tpu.memory_space<hbm>>
      %dma_start3A_207 = arith.constant 0 : i32
      %dma_start3A_208 = tpu.memref_slice %arg7[%add3A_203, %mul3A_2, %dma_start3A_207] : memref<77x1024x512xf32, #tpu.memory_space<hbm>> -> memref<1x32x512xf32, #tpu.memory_space<hbm>>
      %dma_start3A_209 = tpu.memref_squeeze %dma_start3A_208 : memref<1x32x512xf32, #tpu.memory_space<hbm>> -> memref<32x512xf32, #tpu.memory_space<hbm>>
      tpu.enqueue_dma source(%arg10 : memref<32x512xf32, #tpu.memory_space<vmem>>) target(%dma_start3A_209 : memref<32x512xf32, #tpu.memory_space<hbm>>) target_semaphore(%arg15 : memref<!tpu.dma_semaphore, #tpu.memory_space<semaphore_mem>>)
      %scan3A_210 = arith.constant 0 : i32
      scf.yield %scan3A_210 : i32
    }
    %scan3A_156 = arith.constant 14 : i32
    %dma_wait3A_157 = arith.constant 24 : i32
    %dma_wait3A_158 = tpu.memref_slice %arg8[%dma_wait3A_157] : memref<32xi32, #tpu.memory_space<vmem>> -> memref<8xi32, #tpu.memory_space<vmem>>
    %dma_wait3A_159 = arith.constant 0 : i32
    %dma_wait3A_160 = arith.constant 0 : i32
    %dma_wait3A_161 = arith.constant 0 : i32
    %dma_wait3A_162 = tpu.memref_slice %arg3[%dma_wait3A_159, %dma_wait3A_160, %dma_wait3A_161] : memref<100000x8x512xf32, #tpu.memory_space<hbm>> -> memref<100000x8x512xf32, #tpu.memory_space<hbm>>
    tpu.wait_indirect_dma semaphore(%arg13 : memref<!tpu.dma_semaphore, #tpu.memory_space<semaphore_mem>>) src(%dma_wait3A_162 : memref<100000x8x512xf32, #tpu.memory_space<hbm>>) dst(%arg11 : memref<8x8x512xf32, #tpu.memory_space<vmem>>)
    %dma_wait3A_163 = arith.constant 0 : i32
    %dma_wait3A_164 = arith.constant 0 : i32
    %dma_wait3A_165 = tpu.memref_slice %arg7[%dma_wait3A_163, %add3A_143, %dma_wait3A_164] : memref<77x1024x512xf32, #tpu.memory_space<hbm>> -> memref<16x8x512xf32, #tpu.memory_space<hbm>>
    %dma_wait3A_166 = arith.constant 0 : i32
    %dma_wait3A_167 = arith.constant 0 : i32
    %dma_wait3A_168 = tpu.memref_slice %arg7[%dma_wait3A_166, %add3A_143, %dma_wait3A_167] : memref<77x1024x512xf32, #tpu.memory_space<hbm>> -> memref<16x8x512xf32, #tpu.memory_space<hbm>>
    tpu.wait_dma2 semaphore(%arg14 : memref<!tpu.dma_semaphore, #tpu.memory_space<semaphore_mem>>) src(%arg9 : memref<16x8x512xf32, #tpu.memory_space<vmem>>) dst(%dma_wait3A_168 : memref<16x8x512xf32, #tpu.memory_space<hbm>>)
    %parallel_loop3A_169 = arith.constant 0 : i32
    %parallel_loop3A_170 = arith.constant 1024 : i32
    %parallel_loop3A_171 = arith.constant 1 : i32
    scf.for %parallel_loop3A_200 = %parallel_loop3A_169 to %parallel_loop3A_170 step %parallel_loop3A_171  : i32 {
      %parallel_loop3A_201 = arith.constant 128 : i32
      %parallel_loop3A_202 = arith.divsi %parallel_loop3A_200, %parallel_loop3A_201 : i32
      %parallel_loop3A_203 = arith.constant 0 : i32
      %parallel_loop3A_204 = arith.cmpi sgt, %parallel_loop3A_200, %parallel_loop3A_203 : i32
      %parallel_loop3A_205 = arith.extui %parallel_loop3A_204 : i1 to i32
      %parallel_loop3A_206 = arith.constant 0 : i32
      %parallel_loop3A_207 = arith.cmpi slt, %parallel_loop3A_200, %parallel_loop3A_206 : i32
      %parallel_loop3A_208 = arith.extui %parallel_loop3A_207 : i1 to i32
      %parallel_loop3A_209 = arith.subi %parallel_loop3A_205, %parallel_loop3A_208 : i32
      %parallel_loop3A_210 = arith.constant 0 : i32
      %parallel_loop3A_211 = arith.cmpi sgt, %parallel_loop3A_201, %parallel_loop3A_210 : i32
      %parallel_loop3A_212 = arith.extui %parallel_loop3A_211 : i1 to i32
      %parallel_loop3A_213 = arith.constant 0 : i32
      %parallel_loop3A_214 = arith.cmpi slt, %parallel_loop3A_201, %parallel_loop3A_213 : i32
      %parallel_loop3A_215 = arith.extui %parallel_loop3A_214 : i1 to i32
      %parallel_loop3A_216 = arith.subi %parallel_loop3A_212, %parallel_loop3A_215 : i32
      %parallel_loop3A_217 = arith.cmpi ne, %parallel_loop3A_209, %parallel_loop3A_216 : i32
      %parallel_loop3A_218 = arith.remsi %parallel_loop3A_200, %parallel_loop3A_201 : i32
      %parallel_loop3A_219 = arith.constant 0 : i32
      %parallel_loop3A_220 = arith.cmpi ne, %parallel_loop3A_218, %parallel_loop3A_219 : i32
      %parallel_loop3A_221 = arith.andi %parallel_loop3A_217, %parallel_loop3A_220 : i1
      %parallel_loop3A_222 = arith.constant 1 : i32
      %parallel_loop3A_223 = arith.subi %parallel_loop3A_202, %parallel_loop3A_222 : i32
      %parallel_loop3A_224 = arith.select %parallel_loop3A_221, %parallel_loop3A_223, %parallel_loop3A_202 : i32
      %parallel_loop3A_225 = arith.constant 128 : i32
      %parallel_loop3A_226 = arith.constant 0 : i32
      %parallel_loop3A_227 = arith.cmpi eq, %parallel_loop3A_225, %parallel_loop3A_226 : i32
      %parallel_loop3A_228 = arith.constant 1 : i32
      %parallel_loop3A_229 = arith.select %parallel_loop3A_227, %parallel_loop3A_228, %parallel_loop3A_225 : i32
      %parallel_loop3A_230 = arith.remsi %parallel_loop3A_200, %parallel_loop3A_229 : i32
      %parallel_loop3A_231 = arith.constant 0 : i32
      %parallel_loop3A_232 = arith.cmpi ne, %parallel_loop3A_230, %parallel_loop3A_231 : i32
      %parallel_loop3A_233 = arith.constant 0 : i32
      %parallel_loop3A_234 = arith.cmpi slt, %parallel_loop3A_230, %parallel_loop3A_233 : i32
      %parallel_loop3A_235 = arith.constant 0 : i32
      %parallel_loop3A_236 = arith.cmpi slt, %parallel_loop3A_229, %parallel_loop3A_235 : i32
      %parallel_loop3A_237 = arith.xori %parallel_loop3A_234, %parallel_loop3A_236 : i1
      %parallel_loop3A_238 = arith.andi %parallel_loop3A_237, %parallel_loop3A_232 : i1
      %parallel_loop3A_239 = arith.addi %parallel_loop3A_230, %parallel_loop3A_229 : i32
      %parallel_loop3A_240 = arith.select %parallel_loop3A_238, %parallel_loop3A_239, %parallel_loop3A_230 : i32
      %parallel_loop3A_241 = arith.constant 32 : i32
      %parallel_loop3A_242 = arith.divsi %parallel_loop3A_240, %parallel_loop3A_241 : i32
      %parallel_loop3A_243 = arith.constant 0 : i32
      %parallel_loop3A_244 = arith.cmpi sgt, %parallel_loop3A_240, %parallel_loop3A_243 : i32
      %parallel_loop3A_245 = arith.extui %parallel_loop3A_244 : i1 to i32
      %parallel_loop3A_246 = arith.constant 0 : i32
      %parallel_loop3A_247 = arith.cmpi slt, %parallel_loop3A_240, %parallel_loop3A_246 : i32
      %parallel_loop3A_248 = arith.extui %parallel_loop3A_247 : i1 to i32
      %parallel_loop3A_249 = arith.subi %parallel_loop3A_245, %parallel_loop3A_248 : i32
      %parallel_loop3A_250 = arith.constant 0 : i32
      %parallel_loop3A_251 = arith.cmpi sgt, %parallel_loop3A_241, %parallel_loop3A_250 : i32
      %parallel_loop3A_252 = arith.extui %parallel_loop3A_251 : i1 to i32
      %parallel_loop3A_253 = arith.constant 0 : i32
      %parallel_loop3A_254 = arith.cmpi slt, %parallel_loop3A_241, %parallel_loop3A_253 : i32
      %parallel_loop3A_255 = arith.extui %parallel_loop3A_254 : i1 to i32
      %parallel_loop3A_256 = arith.subi %parallel_loop3A_252, %parallel_loop3A_255 : i32
      %parallel_loop3A_257 = arith.cmpi ne, %parallel_loop3A_249, %parallel_loop3A_256 : i32
      %parallel_loop3A_258 = arith.remsi %parallel_loop3A_240, %parallel_loop3A_241 : i32
      %parallel_loop3A_259 = arith.constant 0 : i32
      %parallel_loop3A_260 = arith.cmpi ne, %parallel_loop3A_258, %parallel_loop3A_259 : i32
      %parallel_loop3A_261 = arith.andi %parallel_loop3A_257, %parallel_loop3A_260 : i1
      %parallel_loop3A_262 = arith.constant 1 : i32
      %parallel_loop3A_263 = arith.subi %parallel_loop3A_242, %parallel_loop3A_262 : i32
      %parallel_loop3A_264 = arith.select %parallel_loop3A_261, %parallel_loop3A_263, %parallel_loop3A_242 : i32
      %parallel_loop3A_265 = arith.constant 32 : i32
      %parallel_loop3A_266 = arith.constant 0 : i32
      %parallel_loop3A_267 = arith.cmpi eq, %parallel_loop3A_265, %parallel_loop3A_266 : i32
      %parallel_loop3A_268 = arith.constant 1 : i32
      %parallel_loop3A_269 = arith.select %parallel_loop3A_267, %parallel_loop3A_268, %parallel_loop3A_265 : i32
      %parallel_loop3A_270 = arith.remsi %parallel_loop3A_240, %parallel_loop3A_269 : i32
      %parallel_loop3A_271 = arith.constant 0 : i32
      %parallel_loop3A_272 = arith.cmpi ne, %parallel_loop3A_270, %parallel_loop3A_271 : i32
      %parallel_loop3A_273 = arith.constant 0 : i32
      %parallel_loop3A_274 = arith.cmpi slt, %parallel_loop3A_270, %parallel_loop3A_273 : i32
      %parallel_loop3A_275 = arith.constant 0 : i32
      %parallel_loop3A_276 = arith.cmpi slt, %parallel_loop3A_269, %parallel_loop3A_275 : i32
      %parallel_loop3A_277 = arith.xori %parallel_loop3A_274, %parallel_loop3A_276 : i1
      %parallel_loop3A_278 = arith.andi %parallel_loop3A_277, %parallel_loop3A_272 : i1
      %parallel_loop3A_279 = arith.addi %parallel_loop3A_270, %parallel_loop3A_269 : i32
      %parallel_loop3A_280 = arith.select %parallel_loop3A_278, %parallel_loop3A_279, %parallel_loop3A_270 : i32
      %parallel_loop3A_281 = arith.constant 16 : i32
      %parallel_loop3A_282 = arith.muli %parallel_loop3A_280, %parallel_loop3A_281 : i32
      %parallel_loop3A_283 = arith.index_cast %parallel_loop3A_224 : i32 to index
      %parallel_loop3A_284 = arith.index_cast %parallel_loop3A_264 : i32 to index
      %parallel_loop3A_285 = arith.index_cast %parallel_loop3A_282 : i32 to index
      %parallel_loop3A_286 = tpu.vector_load %arg11[%parallel_loop3A_283, %parallel_loop3A_284, %parallel_loop3A_285] {strides = array<i32>} : memref<8x8x512xf32, #tpu.memory_space<vmem>>, vector<1x1x16xf32>,
      %parallel_loop3A_287 = vector.shape_cast %parallel_loop3A_286 : vector<1x1x16xf32> to vector<16xf32>
      %parallel_loop3A_288 = arith.constant 4 : i32
      %parallel_loop3A_289 = arith.addi %parallel_loop3A_288, %parallel_loop3A_264 : i32
      %parallel_loop3A_290 = arith.index_cast %parallel_loop3A_289 : i32 to index
      %parallel_loop3A_291 = arith.index_cast %parallel_loop3A_224 : i32 to index
      %parallel_loop3A_292 = arith.index_cast %parallel_loop3A_282 : i32 to index
      %parallel_loop3A_293 = tpu.vector_load %arg9[%parallel_loop3A_290, %parallel_loop3A_291, %parallel_loop3A_292] {strides = array<i32>} : memref<16x8x512xf32, #tpu.memory_space<vmem>>, vector<1x1x16xf32>,
      %parallel_loop3A_294 = vector.shape_cast %parallel_loop3A_293 : vector<1x1x16xf32> to vector<16xf32>
      %parallel_loop3A_295 = vector.shape_cast %parallel_loop3A_287 : vector<16xf32> to vector<1x1x16xf32>
      tpu.vector_store %arg9[%parallel_loop3A_290, %parallel_loop3A_291, %parallel_loop3A_292], %parallel_loop3A_295 {strides = array<i32>} : memref<16x8x512xf32, #tpu.memory_space<vmem>>, vector<1x1x16xf32>,
      %parallel_loop3A_296 = arith.constant 4 : i32
      %parallel_loop3A_297 = arith.addi %parallel_loop3A_296, %parallel_loop3A_264 : i32
      %parallel_loop3A_298 = arith.index_cast %parallel_loop3A_224 : i32 to index
      %parallel_loop3A_299 = arith.index_cast %parallel_loop3A_297 : i32 to index
      %parallel_loop3A_300 = arith.index_cast %parallel_loop3A_282 : i32 to index
      %parallel_loop3A_301 = tpu.vector_load %arg11[%parallel_loop3A_298, %parallel_loop3A_299, %parallel_loop3A_300] {strides = array<i32>} : memref<8x8x512xf32, #tpu.memory_space<vmem>>, vector<1x1x16xf32>,
      %parallel_loop3A_302 = vector.shape_cast %parallel_loop3A_301 : vector<1x1x16xf32> to vector<16xf32>
      %parallel_loop3A_303 = arith.constant 11 : i32
      %parallel_loop3A_304 = arith.addi %parallel_loop3A_303, %parallel_loop3A_264 : i32
      %parallel_loop3A_305 = arith.index_cast %parallel_loop3A_304 : i32 to index
      %parallel_loop3A_306 = arith.index_cast %parallel_loop3A_224 : i32 to index
      %parallel_loop3A_307 = arith.index_cast %parallel_loop3A_282 : i32 to index
      %parallel_loop3A_308 = tpu.vector_load %arg9[%parallel_loop3A_305, %parallel_loop3A_306, %parallel_loop3A_307] {strides = array<i32>} : memref<16x8x512xf32, #tpu.memory_space<vmem>>, vector<1x1x16xf32>,
      %parallel_loop3A_309 = vector.shape_cast %parallel_loop3A_308 : vector<1x1x16xf32> to vector<16xf32>
      %parallel_loop3A_310 = vector.shape_cast %parallel_loop3A_302 : vector<16xf32> to vector<1x1x16xf32>
      tpu.vector_store %arg9[%parallel_loop3A_305, %parallel_loop3A_306, %parallel_loop3A_307], %parallel_loop3A_310 {strides = array<i32>} : memref<16x8x512xf32, #tpu.memory_space<vmem>>, vector<1x1x16xf32>,
    } {sc.loop_unroll_factor = 4 : i64, sc.parallel_access}
    %add3A_172 = arith.constant 24 : i32
    %add3A_173 = arith.addi %mul3A_2, %add3A_172 : i32
    %dma_start3A_174 = arith.constant 0 : i32
    %dma_start3A_175 = arith.constant 0 : i32
    %dma_start3A_176 = tpu.memref_slice %arg7[%dma_start3A_174, %add3A_173, %dma_start3A_175] : memref<77x1024x512xf32, #tpu.memory_space<hbm>> -> memref<16x8x512xf32, #tpu.memory_space<hbm>>
    %dma_start3A_177 = arith.constant 0 : i32
    %dma_start3A_178 = arith.constant 0 : i32
    %dma_start3A_179 = tpu.memref_slice %arg7[%dma_start3A_177, %add3A_173, %dma_start3A_178] : memref<77x1024x512xf32, #tpu.memory_space<hbm>> -> memref<16x8x512xf32, #tpu.memory_space<hbm>>
    tpu.enqueue_dma source(%arg9 : memref<16x8x512xf32, #tpu.memory_space<vmem>>) target(%dma_start3A_179 : memref<16x8x512xf32, #tpu.memory_space<hbm>>) target_semaphore(%arg14 : memref<!tpu.dma_semaphore, #tpu.memory_space<semaphore_mem>>)
    %scan3A_180 = arith.constant 0 : i32
    %scan3A_181 = arith.constant 47 : i32
    %scan3A_182 = arith.constant 14 : i32
    %scan3A_183 = arith.addi %scan3A_181, %scan3A_182 : i32
    %scan3A_184 = arith.constant 1 : i32
    %scan3A_185 = scf.for %scan3A_200 = %scan3A_181 to %scan3A_183 step %scan3A_184 iter_args(%scan3A_201 = %scan3A_180) -> (i32)  : i32 {
      %add3A_202 = arith.constant 16 : i32
      %add3A_203 = arith.addi %add3A_202, %scan3A_200 : i32
      %dma_start3A_204 = arith.constant 0 : i32
      %dma_start3A_205 = tpu.memref_slice %arg7[%add3A_203, %mul3A_2, %dma_start3A_204] : memref<77x1024x512xf32, #tpu.memory_space<hbm>> -> memref<1x32x512xf32, #tpu.memory_space<hbm>>
      %dma_start3A_206 = tpu.memref_squeeze %dma_start3A_205 : memref<1x32x512xf32, #tpu.memory_space<hbm>> -> memref<32x512xf32, #tpu.memory_space<hbm>>
      %dma_start3A_207 = arith.constant 0 : i32
      %dma_start3A_208 = tpu.memref_slice %arg7[%add3A_203, %mul3A_2, %dma_start3A_207] : memref<77x1024x512xf32, #tpu.memory_space<hbm>> -> memref<1x32x512xf32, #tpu.memory_space<hbm>>
      %dma_start3A_209 = tpu.memref_squeeze %dma_start3A_208 : memref<1x32x512xf32, #tpu.memory_space<hbm>> -> memref<32x512xf32, #tpu.memory_space<hbm>>
      tpu.enqueue_dma source(%arg10 : memref<32x512xf32, #tpu.memory_space<vmem>>) target(%dma_start3A_209 : memref<32x512xf32, #tpu.memory_space<hbm>>) target_semaphore(%arg15 : memref<!tpu.dma_semaphore, #tpu.memory_space<semaphore_mem>>)
      %scan3A_210 = arith.constant 0 : i32
      scf.yield %scan3A_210 : i32
    }
    %scan3A_186 = arith.constant 14 : i32
    %dma_wait3A_187 = arith.constant 0 : i32
    %dma_wait3A_188 = arith.constant 0 : i32
    %dma_wait3A_189 = tpu.memref_slice %arg7[%dma_wait3A_187, %add3A_173, %dma_wait3A_188] : memref<77x1024x512xf32, #tpu.memory_space<hbm>> -> memref<16x8x512xf32, #tpu.memory_space<hbm>>
    %dma_wait3A_190 = arith.constant 0 : i32
    %dma_wait3A_191 = arith.constant 0 : i32
    %dma_wait3A_192 = tpu.memref_slice %arg7[%dma_wait3A_190, %add3A_173, %dma_wait3A_191] : memref<77x1024x512xf32, #tpu.memory_space<hbm>> -> memref<16x8x512xf32, #tpu.memory_space<hbm>>
    tpu.wait_dma2 semaphore(%arg14 : memref<!tpu.dma_semaphore, #tpu.memory_space<semaphore_mem>>) src(%arg9 : memref<16x8x512xf32, #tpu.memory_space<vmem>>) dst(%dma_wait3A_192 : memref<16x8x512xf32, #tpu.memory_space<hbm>>)
    %scan3A_193 = arith.constant 0 : i32
    %scan3A_194 = arith.constant 0 : i32
    %scan3A_195 = arith.constant 61 : i32
    %scan3A_196 = arith.addi %scan3A_194, %scan3A_195 : i32
    %scan3A_197 = arith.constant 1 : i32
    %scan3A_198 = scf.for %scan3A_200 = %scan3A_194 to %scan3A_196 step %scan3A_197 iter_args(%scan3A_201 = %scan3A_193) -> (i32)  : i32 {
      %dma_wait3A_202 = arith.constant 16 : i32
      %dma_wait3A_203 = arith.constant 0 : i32
      %dma_wait3A_204 = tpu.memref_slice %arg7[%dma_wait3A_202, %mul3A_2, %dma_wait3A_203] : memref<77x1024x512xf32, #tpu.memory_space<hbm>> -> memref<1x32x512xf32, #tpu.memory_space<hbm>>
      %dma_wait3A_205 = tpu.memref_squeeze %dma_wait3A_204 : memref<1x32x512xf32, #tpu.memory_space<hbm>> -> memref<32x512xf32, #tpu.memory_space<hbm>>
      %dma_wait3A_206 = arith.constant 0 : i32
      %dma_wait3A_207 = tpu.memref_slice %arg7[%dma_wait3A_202, %mul3A_2, %dma_wait3A_206] : memref<77x1024x512xf32, #tpu.memory_space<hbm>> -> memref<1x32x512xf32, #tpu.memory_space<hbm>>
      %dma_wait3A_208 = tpu.memref_squeeze %dma_wait3A_207 : memref<1x32x512xf32, #tpu.memory_space<hbm>> -> memref<32x512xf32, #tpu.memory_space<hbm>>
      tpu.wait_dma2 semaphore(%arg15 : memref<!tpu.dma_semaphore, #tpu.memory_space<semaphore_mem>>) src(%arg10 : memref<32x512xf32, #tpu.memory_space<vmem>>) dst(%dma_wait3A_208 : memref<32x512xf32, #tpu.memory_space<hbm>>)
      %scan3A_209 = arith.constant 0 : i32
      scf.yield %scan3A_209 : i32
    }
    %scan3A_199 = arith.constant 61 : i32
    return
  }
}

</mosaic_0001>

<sc_bundles>
// kernel: _sc_prompts.3.cloned.1.call-start
scs
__scs_entry_jumppad:
0x0: {  	(pc) =	sbr.rel $0x88, $3  }
0x1: {  	(tag) =	ssettag $0x0;
	lr =	simm.s32 $0x1  }
0x2: {  	[smem:$0x3F9C] =	sst lr;
	_ =	strace $0xD0000000  }
0x3: {  	_ = 	snop  }
0x4: {  	_ = 	snop  }
0x5: {  	_ = 	snop  }
0x6: {  	_ = 	snop  }
0x7: {  	_ = 	snop  }
__scs_overlays_trampoline_lowered:
0x8: {  	[smem:$0x3FAB] =	sst s0  }
0x9: {  	[smem:$0x3FAC] =	sst s1  }
0xa: {  	[smem:$0x3FAD] =	sst s2  }
0xb: {  	[smem:$0x3FAE] =	sst s3  }
0xc: {  	[smem:$0x3FAF] =	sst s4  }
0xd: {  	[smem:$0x3FB0] =	sst s5  }
0xe: {  	[smem:$0x3FB1] =	sst s6  }
0xf: {  	[smem:$0x3FB2] =	sst s7  }
0x10: {  	[smem:$0x3FB3] =	sst s8  }
0x11: {  	[smem:$0x3FB4] =	sst s9;
	s0 =	simm.s32 @!p0 $0x0  }
0x12: {  	s1 =	sld [smem:$0x3F9A];
	s0 =	simm.s32 @p0 $0x1  }
0x13: {  	[smem:$0x3FB5] =	sst s0;
	s0 =	simm.s32 @!p1 $0x0  }
0x14: {  	s2 =	sld [smem:$0x3F99];
	s0 =	simm.s32 @p1 $0x1  }
0x15: {  	[smem:$0x3FB6] =	sst s0;
	s0 =	simm.s32 @!p2 $0x0  }
0x16: {  	s3 =	sld [smem:$0x3FDB];
	s0 =	simm.s32 @p2 $0x1  }
0x17: {  	s4 =	simm.s32 $0x1BF5;
	[smem:$0x3FB8] =	sst s0  }
0x18: {  	s0 =	sld [smem:$0x3F9B];
	_ =	swait.ge [sflag:s4], $0x0  }
0x19: {  	s7 =	sld [smem:$0x3F9C]  }
0x1a: {  	s8 =	sadd.s32 $0xFFFFE003, lr  }
0x1b: {  	s9 =	sadd.s32 $0xFFFFFEF7, lr;
	s5 =	simm.s32 $0xFFFFFFFF;
	p2 =	slt.u32 s8, $0xFFFFF086  }
0x1c: {  	p1 =	slt.u32 s9, $0xF7A;
	s5 =	simm.s32 @!p2 $0x0  }
0x1d: {  	s5 =	simm.s32 @p1 $0x1;
	p0 =	seq.s32 s7, s2  }
0x1e: {  	s7 =	smul.u32 @!p0 $0xF7A, s2;
	p2 =	seq.s32 @!p0 s5, $0x0  }
0x1f: {  	s9 =	smul.u32 $0xF7A, s1;
	s8 =	simm.s32 @!p0 $0x1BF5;
	p2 =	por !p2, p0  }
0x20: {  	[sflag:s8] =	ssyncset.s32 @!p0 $0xFFFFF086;
	s6 =	sadd.s32 @!p0 s3, s7;
	s7 =	simm.s32 @!p0 $0x108  }
0x21: {  	s3 =	sadd.s32 s3, s9;
	s6 =	sadd.s32 @!p0 $0x88, s6;
	s7 =	simm.s32 @p2 $0x1082  }
0x22: {  	[simem:s7], [sflag:s8] =	dma.local @!p0 [hbm:s6], $0xF7A  }
0x23: {  	s9 =	sor.u32 $0xD0000000, s2;
	s6 =	simm.s32 $0x108;
	_ =	swait.ge @!p0 [sflag:s8], $0x0  }
0x24: {  	s3 =	sadd.s32 $0x88, s3;
	s6 =	simm.s32 @!p1 $0x1082;
	[sflag:s4] =	ssyncset.s32 $0xFFFFF086  }
0x25: {  	[simem:s6], [sflag:s4] =	dma.local [hbm:s3], $0xF7A  }
0x26: {  	[smem:$0x3F9C] =	sst s1;
	(tag) =	ssettag s2;
	_ =	strace s9  }
0x27: {  	s1 =	sld [smem:$0x3FAC]  }
0x28: {  	s2 =	sld [smem:$0x3FAD]  }
0x29: {  	s4 =	sld [smem:$0x3FAF]  }
0x2a: {  	p0 =	seq.s32 s5, $0x0;
	s5 =	sld [smem:$0x3FB0]  }
0x2b: {  	s6 =	sld [smem:$0x3FB1]  }
0x2c: {  	s7 =	sld [smem:$0x3FB2]  }
0x2d: {  	s3 =	simm.s32 $0x108;
	s8 =	sld [smem:$0x3FB3]  }
0x2e: {  	s3 =	simm.s32 @!p0 $0x1082;
	s9 =	sld [smem:$0x3FB4]  }
0x2f: {  	lr =	sadd.s32 s0, s3;
	s0 =	sld [smem:$0x3FAB]  }
0x30: {  	s3 =	sld [smem:$0x3FAE]  }
0x31: {  	[smem:$0x3FB7] =	sst s10  }
0x32: {  	s10 =	sld [smem:$0x3FB5];
	_ =	sdelay $0x3  }
0x33: {  	p0 =	seq.s32 s10, $0x1;
	s10 =	sld [smem:$0x3FB7];
	_ =	sdelay $0x3  }
0x34: {  	[smem:$0x3FB7] =	sst s10  }
0x35: {  	s10 =	sld [smem:$0x3FB6];
	_ =	sdelay $0x3  }
0x36: {  	p1 =	seq.s32 s10, $0x1;
	s10 =	sld [smem:$0x3FB7];
	_ =	sdelay $0x3  }
0x37: {  	[smem:$0x3FB7] =	sst s10  }
0x38: {  	s10 =	sld [smem:$0x3FB8]  }
0x39: {  	_ = 	snop;
	(pc) =	sbr.ind lr, $3  }
0x3a: {  	_ = 	snop  }
0x3b: {  	_ = 	snop  }
0x3c: {  	p2 =	seq.s32 s10, $0x1;
	s10 =	sld [smem:$0x3FB7]  }
0x3d: {  	_ =	shalt  }
0x3e: {  	_ =	shalt  }
0x3f: {  	_ =	shalt  }
0x40: {  	_ =	shalt  }
0x41: {  	_ =	shalt  }
0x42: {  	_ =	shalt  }
0x43: {  	_ =	shalt  }
0x44: {  	_ =	shalt  }
0x45: {  	_ =	shalt  }
0x46: {  	_ =	shalt  }
0x47: {  	_ =	shalt  }
0x48: {  	_ =	shalt  }
0x49: {  	_ =	shalt  }
0x4a: {  	_ =	shalt  }
0x4b: {  	_ =	shalt  }
0x4c: {  	_ =	shalt  }
0x4d: {  	_ =	shalt  }
0x4e: {  	_ =	shalt  }
0x4f: {  	_ =	shalt  }
0x50: {  	_ =	shalt  }
0x51: {  	_ =	shalt  }
0x52: {  	_ =	shalt  }
0x53: {  	_ =	shalt  }
0x54: {  	_ =	shalt  }
0x55: {  	_ =	shalt  }
0x56: {  	_ =	shalt  }
0x57: {  	_ =	shalt  }
0x58: {  	_ =	shalt  }
0x59: {  	_ =	shalt  }
0x5a: {  	_ =	shalt  }
0x5b: {  	_ =	shalt  }
0x5c: {  	_ =	shalt  }
0x5d: {  	_ =	shalt  }
0x5e: {  	_ =	shalt  }
0x5f: {  	_ =	shalt  }
0x60: {  	_ =	shalt  }
0x61: {  	_ =	shalt  }
0x62: {  	_ =	shalt  }
0x63: {  	_ =	shalt  }
0x64: {  	_ =	shalt  }
0x65: {  	_ =	shalt  }
0x66: {  	_ =	shalt  }
0x67: {  	_ =	shalt  }
0x68: {  	_ =	shalt  }
0x69: {  	_ =	shalt  }
0x6a: {  	_ =	shalt  }
0x6b: {  	_ =	shalt  }
0x6c: {  	_ =	shalt  }
0x6d: {  	_ =	shalt  }
0x6e: {  	_ =	shalt  }
0x6f: {  	_ =	shalt  }
0x70: {  	_ =	shalt  }
0x71: {  	_ =	shalt  }
0x72: {  	_ =	shalt  }
0x73: {  	_ =	shalt  }
0x74: {  	_ =	shalt  }
0x75: {  	_ =	shalt  }
0x76: {  	_ =	shalt  }
0x77: {  	_ =	shalt  }
0x78: {  	_ =	shalt  }
0x79: {  	_ =	shalt  }
0x7a: {  	_ =	shalt  }
0x7b: {  	_ =	shalt  }
0x7c: {  	_ =	shalt  }
0x7d: {  	_ =	shalt  }
0x7e: {  	_ =	shalt  }
0x7f: {  	_ =	shalt  }
0x80: {  	_ =	shalt  }
0x81: {  	_ =	shalt  }
0x82: {  	_ =	shalt  }
0x83: {  	_ =	shalt  }
0x84: {  	_ =	shalt  }
0x85: {  	_ =	shalt  }
0x86: {  	_ =	shalt  }
0x87: {  	_ =	shalt  }
.Lfunc_end0:
.L_simem_size_0:
called_computation_lowered:
.L_overlay_start_0:
0x88: {  	s2 =	sld [smem:$0x3FD9]  }
0x89: {  	s3 =	sld [smem:$0x3FFE];
	_ =	sdelay $0x1  }
0x8a: {  	s1 =	srdreg.scid  }
0x8b: {  	s0 =	sand.u32 $0x1, s1  }
0x8c: {  	s18 =	sshll.u32 s0, $0xA;
	s2 =	sadd.s32 s3, s2  }
0x8d: {  	s2 =	sadd.s32 s2, s18  }
0x8e: {  	[smem:$0x3FC3] =	sst s2  }
0x8f: {  	_ = 	snop  }
0x90: {  	s2 =	sld [smem:$0x3FC9]  }
0x91: {  	s19 =	sld [smem:$0x3FC8]  }
0x92: {  	s4 =	sld [smem:$0x3FC7]  }
0x93: {  	s5 =	sld [smem:$0x3FC6]  }
0x94: {  	s6 =	sld [smem:$0x3FC5]  }
0x95: {  	s7 =	sld [smem:$0x3FD0];
	(tm) =	ssettm $0x1  }
0x96: {  	s8 =	sld [smem:$0x3FFB];
	_ =	sdelay $0x3  }
0x97: {  	_ =	strace s8  }
0x98: {  	s8 =	sld [smem:$0x3FFC];
	_ =	sdelay $0x3  }
0x99: {  	_ =	strace s8  }
0x9a: {  	s8 =	sld [smem:$0x3FFD];
	_ =	sdelay $0x3  }
0x9b: {  	_ =	strace s8  }
0x9c: {  	_ =	strace $0x8FFFFFFF  }
0x9d: {  	s20 =	sld [smem:$0x3FDB];
	_ =	sdelay $0x1  }
0x9e: {  	s9 =	simm.s32 $_scs_section_size  }
0x9f: {  	s10 =	simm.s32 $_size__tile_overlayer_lowered;
	s11 =	simm.s32 $_tile_overlayer_lowered  }
0xa0: {  	s23 =	simm.s32 $0x1BFF;
	s22 =	sshll.u32 s11, $0x1;
	s8 =	sadd.s32 s9, s20  }
0xa1: {  	s12 =	simm.s32 $0x0;
	s21 =	sshll.u32 s10, $0x1;
	s10 =	sadd.s32 s22, s8  }
0xa2: {  	[timem:s12], [sflag:s23] =	dma.local [hbm:s10], s21  }
0xa3: {  	_ =	swait.ge [sflag:s23], s21  }
0xa4: {  	s9 =	ssub.s32 $0x0, s21;
	[sflag:s23] =	ssyncset.done $0x0  }
0xa5: {  	[sflag:s23] =	ssyncadd.s32 s9;
	_ =	sdelay $0x1  }
0xa6: {  	s24 =	simm.s32 $0x1B8B  }
0xa7: {  	_ =	swait.ge [sflag:s24], $0x1  }
0xa8: {  	[sflag:s24] =	ssyncset.done $0x0  }
0xa9: {  	s25 =	simm.s32 $0x1B8E;
	[sflag:s24] =	ssyncadd.s32 $0xFFFFFFFF  }
0xaa: {  	s26 =	simm.s32 $execute0_lowered;
	[smem:$0x3FD2] =	sst s25  }
0xab: {  	s9 =	sshll.u32 s26, $0x1;
	_ =	strace $0x80000046;
	[dreg:$0x1] =	wrdreg $0xFFFFFFFF  }
0xac: {  	s28 =	simm.s32 $_size_execute0_lowered;
	s8 =	sadd.s32 s8, s9;
	[dreg:$0x0] =	wrdreg $0x0  }
0xad: {  	s9 =	sshll.u32 s28, $0x1;
	[dreg:$0x2] =	wrdreg s8  }
0xae: {  	[dreg:$0x3] =	wrdreg s9  }
0xaf: {  	[dreg:$0x4] =	wrdreg $0xC0  }
0xb0: {  	_ =	task [dreg:s12], $0x5FFFF  }
0xb1: {  	[dreg:$0x1] =	wrdreg $0xFFFFFFFF  }
0xb2: {  	[dreg:$0x0] =	wrdreg $0x60  }
0xb3: {  	[dreg:$0x2] =	wrdreg s2  }
0xb4: {  	[dreg:$0x3] =	wrdreg s19  }
0xb5: {  	[dreg:$0x4] =	wrdreg s4  }
0xb6: {  	[dreg:$0x5] =	wrdreg s5  }
0xb7: {  	[dreg:$0x6] =	wrdreg s6  }
0xb8: {  	[dreg:$0x7] =	wrdreg s7  }
0xb9: {  	[dreg:$0x8] =	wrdreg $0x9  }
0xba: {  	_ =	task.clear_ibuf [dreg:s12], $0x9FFFF;
	_ =	strace $0x90000046  }
0xbb: {  	s29 =	simm.s32 $0x9;
	_ =	strace $0x80000048  }
0xbc: {  	_ =	swait.ge [sflag:s29], $0x1  }
0xbd: {  	[sflag:s29] =	ssyncadd.s32 $0xFFFFFFFF  }
0xbe: {  	_ =	strace $0x90000048  }
0xbf: {  	_ =	sfence  }
0xc0: {  	s30 =	sld [smem:$0x0];
	_ =	sdelay $0x2  }
0xc1: {  	s31 =	sshll.u32 s1, $0xD;
	s1 =	sshrl.u32 s1, $0x2  }
0xc2: {  	s3 =	sand.u32 $0x4000, s31;
	s1 =	sadd.s32 s1, s30  }
0xc3: {  	s0 =	sor.u32 s3, s0;
	s1 =	sshll.u32 s1, $0x11  }
0xc4: {  	s0 =	sor.u32 s1, s0  }
0xc5: {  	s0 =	sadd.s32 $0x8F2B, s0  }
0xc6: {  	[sflag:s0] =	ssyncadd.remote.s32 $0x1  }
0xc7: {  	_ =	sfence.sel $0xFFFF  }
0xc8: {  	[dreg:$0x0] =	wrdreg $0xFFFFFFFF;
	(pc) =	sbr.abs _section_cstart, $3  }
0xc9: {  	[dreg:$0x1] =	wrdreg $0xFFFFFFFF  }
0xca: {  	_ =	task.clear_ibuf [dreg:s12], $0x2FFFF;
	_ =	strace $0x9FFFFFFF  }
0xcb: {  	(tm) =	ssettm $0x7FFFFFFF  }
tec
execute0_lowered:
.L_overlay_start_1:
0x0: {  	(tag) =	ssettag $0x1  }
0x1: {  	s0 =	rddreg [dreg:$0x0]  }
0x2: {  	s8 =	rddreg [dreg:$0x2]  }
0x3: {  	s9 =	rddreg [dreg:$0x3]  }
0x4: {  	s10 =	rddreg [dreg:$0x4]  }
0x5: {  	s1 =	rddreg [dreg:$0x5];
	s6 =	simm.s32 $0x0  }
0x6: {  	[smem:$0x7FF] =	sst s6;
	s18 =	sadd.s32 $0x40, s8  }
0x7: {  	s19 =	sadd.s32 $0x80, s8;
	_ =	strace $0x80000047;
	[dreg:$0xd] =	wrdreg s18  }
0x8: {  	s2 =	srdreg.scid;
	s20 =	sadd.s32 $0xC0, s8;
	[dreg:$0xe] =	wrdreg s19  }
0x9: {  	s3 =	stileid.u32;
	s21 =	sadd.s32 $0x40, s9;
	[dreg:$0xf] =	wrdreg s20  }
0xa: {  	s2 =	sand.u32 $0x1, s2;
	s22 =	sadd.s32 $0x80, s9;
	[dreg:$0x10] =	wrdreg s21  }
0xb: {  	s3 =	sshll.u32 s3, $0x6;
	s23 =	sadd.s32 $0xC0, s9;
	[dreg:$0x11] =	wrdreg s22  }
0xc: {  	s24 =	sadd.s32 $0x10, s10;
	s25 =	sadd.s32 $0x20, s10;
	[dreg:$0x12] =	wrdreg s23  }
0xd: {  	s26 =	sadd.s32 $0x30, s10;
	s4 =	sshll.u32 s2, $0x5;
	[dreg:$0x13] =	wrdreg s24  }
0xe: {  	s2 =	ssub.s32 $0x2, s2;
	[dreg:$0x14] =	wrdreg s25;
	s3 =	sor.u32 s4, s3  }
0xf: {  	s12 =	sshrl.u32 s2, $0x1;
	s5 =	sshll.u32 s3, $0x6;
	s3 =	sshrl.u32 s3, $0x3  }
0x10: {  	[dreg:$0x15] =	wrdreg s26;
	s2 =	ssub.s32 s2, s12;
	s0 =	sadd.s32 s0, s3  }
0x11: {  	s7 =	sadd.s32 s1, s5;
	s17 =	smax.u32 s2, $0x1;
	[dreg:$0x7] =	wrdreg s0  }
0x12: {  	s13 =	sadd.s32 $0x100000, s7;
	[dreg:$0xc] =	wrdreg s17  }
0x13: {  	s14 =	sadd.s32 $0x200, s7;
	[dreg:$0x8] =	wrdreg s13  }
0x14: {  	s15 =	sadd.s32 $0x400, s7;
	[dreg:$0x9] =	wrdreg s14  }
0x15: {  	s16 =	sadd.s32 $0x600, s7;
	[dreg:$0xa] =	wrdreg s15  }
0x16: {  	s28 =	sadd.s32 $0x110000, s7;
	[dreg:$0xb] =	wrdreg s16  }
0x17: {  	s29 =	sadd.s32 $0x120000, s7;
	[dreg:$0x16] =	wrdreg s28  }
0x18: {  	s30 =	sadd.s32 $0x130000, s7;
	[dreg:$0x17] =	wrdreg s29  }
0x19: {  	s31 =	sadd.s32 $0x140000, s7;
	[dreg:$0x18] =	wrdreg s30  }
0x1a: {  	s1 =	sadd.s32 $0x150000, s7;
	[dreg:$0x19] =	wrdreg s31  }
0x1b: {  	s2 =	sadd.s32 $0x160000, s7;
	[dreg:$0x1a] =	wrdreg s1  }
0x1c: {  	s3 =	sadd.s32 $0x170000, s7;
	[dreg:$0x1b] =	wrdreg s2  }
0x1d: {  	s4 =	sadd.s32 $0x180000, s7;
	[dreg:$0x1c] =	wrdreg s3  }
0x1e: {  	s5 =	sadd.s32 $0x190000, s7;
	[dreg:$0x1d] =	wrdreg s4  }
0x1f: {  	s8 =	sadd.s32 $0x1A0000, s7;
	[dreg:$0x1e] =	wrdreg s5  }
0x20: {  	s9 =	sadd.s32 $0x1B0000, s7;
	[dreg:$0x1f] =	wrdreg s8  }
0x21: {  	s10 =	sadd.s32 $0x1C0000, s7;
	[smem:$0x7CC] =	sst s9  }
0x22: {  	s11 =	sadd.s32 $0x1D0000, s7;
	[smem:$0x7CD] =	sst s10  }
0x23: {  	s12 =	sadd.s32 $0x1E0000, s7;
	[smem:$0x7CE] =	sst s11  }
0x24: {  	s17 =	sadd.s32 $0x230000, s7;
	[smem:$0x7CF] =	sst s12  }
0x25: {  	s18 =	sadd.s32 $0x240000, s7;
	[smem:$0x7D4] =	sst s17  }
0x26: {  	s19 =	sadd.s32 $0x250000, s7;
	[smem:$0x7D5] =	sst s18  }
0x27: {  	s20 =	sadd.s32 $0x260000, s7;
	[smem:$0x7D6] =	sst s19  }
0x28: {  	s21 =	sadd.s32 $0x270000, s7;
	[smem:$0x7D7] =	sst s20  }
0x29: {  	s22 =	sadd.s32 $0x280000, s7;
	[smem:$0x7D8] =	sst s21  }
0x2a: {  	s23 =	sadd.s32 $0x290000, s7;
	[smem:$0x7D9] =	sst s22  }
0x2b: {  	s24 =	sadd.s32 $0x2A0000, s7;
	[smem:$0x7DA] =	sst s23  }
0x2c: {  	s25 =	sadd.s32 $0x2B0000, s7;
	[smem:$0x7DB] =	sst s24  }
0x2d: {  	s26 =	sadd.s32 $0x2C0000, s7;
	[smem:$0x7DC] =	sst s25  }
0x2e: {  	s13 =	sadd.s32 $0x1F0000, s7;
	[smem:$0x7DD] =	sst s26  }
0x2f: {  	s14 =	sadd.s32 $0x200000, s7;
	[smem:$0x7D0] =	sst s13  }
0x30: {  	s15 =	sadd.s32 $0x210000, s7;
	[smem:$0x7D1] =	sst s14  }
0x31: {  	s16 =	sadd.s32 $0x220000, s7;
	[smem:$0x7D2] =	sst s15  }
0x32: {  	s28 =	sadd.s32 $0x2D0000, s7;
	[smem:$0x7D3] =	sst s16  }
0x33: {  	s29 =	sadd.s32 $0x2E0000, s7;
	[smem:$0x7DE] =	sst s28  }
0x34: {  	s30 =	sadd.s32 $0x2F0000, s7;
	[smem:$0x7DF] =	sst s29  }
0x35: {  	s31 =	sadd.s32 $0x300000, s7;
	[smem:$0x7E0] =	sst s30  }
0x36: {  	s1 =	sadd.s32 $0x310000, s7;
	[smem:$0x7E1] =	sst s31  }
0x37: {  	s2 =	sadd.s32 $0x320000, s7;
	[smem:$0x7E2] =	sst s1  }
0x38: {  	s3 =	sadd.s32 $0x330000, s7;
	[smem:$0x7E3] =	sst s2  }
0x39: {  	s4 =	sadd.s32 $0x340000, s7;
	[smem:$0x7E4] =	sst s3  }
0x3a: {  	s5 =	sadd.s32 $0x350000, s7;
	[smem:$0x7E5] =	sst s4  }
0x3b: {  	s8 =	sadd.s32 $0x360000, s7;
	[smem:$0x7E6] =	sst s5  }
0x3c: {  	s9 =	sadd.s32 $0x370000, s7;
	[smem:$0x7E7] =	sst s8  }
0x3d: {  	s10 =	sadd.s32 $0x380000, s7;
	[smem:$0x7E8] =	sst s9  }
0x3e: {  	s11 =	sadd.s32 $0x390000, s7;
	[smem:$0x7E9] =	sst s10  }
0x3f: {  	s12 =	sadd.s32 $0x3A0000, s7;
	[smem:$0x7EA] =	sst s11  }
0x40: {  	s17 =	sadd.s32 $0x3F0000, s7;
	[smem:$0x7EB] =	sst s12  }
0x41: {  	s18 =	sadd.s32 $0x400000, s7;
	[smem:$0x7F0] =	sst s17  }
0x42: {  	s19 =	sadd.s32 $0x410000, s7;
	[smem:$0x7F1] =	sst s18  }
0x43: {  	s20 =	sadd.s32 $0x420000, s7;
	[smem:$0x7F2] =	sst s19  }
0x44: {  	s21 =	sadd.s32 $0x430000, s7;
	[smem:$0x7F3] =	sst s20  }
0x45: {  	s22 =	sadd.s32 $0x440000, s7;
	[smem:$0x7F4] =	sst s21  }
0x46: {  	s23 =	sadd.s32 $0x450000, s7;
	[smem:$0x7F5] =	sst s22  }
0x47: {  	s24 =	sadd.s32 $0x460000, s7;
	[smem:$0x7F6] =	sst s23  }
0x48: {  	s25 =	sadd.s32 $0x470000, s7;
	[smem:$0x7F7] =	sst s24  }
0x49: {  	s26 =	sadd.s32 $0x480000, s7;
	[smem:$0x7F8] =	sst s25  }
0x4a: {  	s13 =	sadd.s32 $0x3B0000, s7;
	[smem:$0x7F9] =	sst s26  }
0x4b: {  	s14 =	sadd.s32 $0x3C0000, s7;
	[smem:$0x7EC] =	sst s13  }
0x4c: {  	s15 =	sadd.s32 $0x3D0000, s7;
	[smem:$0x7ED] =	sst s14  }
0x4d: {  	s16 =	sadd.s32 $0x3E0000, s7;
	[smem:$0x7EE] =	sst s15  }
0x4e: {  	s28 =	sadd.s32 $0x490000, s7;
	[smem:$0x7EF] =	sst s16  }
0x4f: {  	s29 =	sadd.s32 $0x4A0000, s7;
	[smem:$0x7FA] =	sst s28  }
0x50: {  	s30 =	sadd.s32 $0x4B0000, s7;
	[smem:$0x7FB] =	sst s29  }
0x51: {  	s31 =	sadd.s32 $0x4C0000, s7;
	[smem:$0x7FC] =	sst s30  }
0x52: {  	s23 =	simm.s32 $0x3;
	s10 =	simm.s32 $0x0;
	[smem:$0x7FD] =	sst s31  }
0x53: {  	vm0 =	vmmov $0xff;
	v0 =	vlaneseq.u32;
	v1 =	vimm.f32 $0.0e+00;
	s14 =	simm.s32 $0x2;
	s15 =	simm.s32 $0x10080;
	s16 =	simm.s32 $0x1  }
.LBB2_1:
0x54: {  	s0 =	rddreg [dreg:$0x7];
	s19 =	simm.s32 $0x4  }
0x55: {  	[tilespmem:s6], [sflag:$0x4] =	stream.linear.gather [hbm4b:s0+s6], $0x20, $0x38;
	[tilespmem:$0x1D080] =	vst v63  }
0x56: {  	_ =	swait.ge [sflag:s19], $0x20  }
0x57: {  	[sflag:s19] =	ssyncset.done $0x0  }
0x58: {  	[sflag:s19] =	ssyncadd.s32 $0xFFFFFFE0  }
0x59: {  	v2 =	vld.msk [tilespmem:$0x0], $0xff;
	_ =	sdelay $0x4  }
0x5a: {  	v2 =	vshll.u32 v2, $0xC  }
0x5b: {  	v2 =	vperm.xlane v2, v0;
	_ =	sdelay $0x4  }
0x5c: {  	s1 =	simm.s32 $0x14080;
	s0 =	rddreg [dreg:$0x1]  }
0x5d: {  	[tilespmem:s1], [sflag:$0x1] =	stream.indirect_vreg.gather [hbm4b:s0+s6], $0x1000, v2, vm0, $0x38;
	[tilespmem:$0x1D080] =	vst v63  }
0x5e: {  	s21 =	simm.s32 $0x1C080;
	s20 =	rddreg [dreg:$0x2]  }
0x5f: {  	[tilespmem:s21], [sflag:$0x2] =	stream.linear.gather [hbm4b:s20+s6], $0x200, $0x38;
	[tilespmem:$0x1D080] =	vst v63  }
0x60: {  	s24 =	simm.s32 $0x1C480;
	s22 =	rddreg [dreg:$0xd]  }
0x61: {  	[tilespmem:s24], [sflag:$0x2] =	stream.linear.gather [hbm4b:s22+s6], $0x200, $0x38;
	[tilespmem:$0x1D080] =	vst v63  }
0x62: {  	s26 =	simm.s32 $0x1C880;
	s25 =	rddreg [dreg:$0xe]  }
0x63: {  	[tilespmem:s26], [sflag:$0x2] =	stream.linear.gather [hbm4b:s25+s6], $0x200, $0x38;
	[tilespmem:$0x1D080] =	vst v63  }
0x64: {  	s29 =	simm.s32 $0x1CC80;
	s4 =	simm.s32 $0x200;
	s28 =	rddreg [dreg:$0xf]  }
0x65: {  	[tilespmem:s29], [sflag:$0x2] =	stream.linear.gather [hbm4b:s28+s6], $0x200, $0x38;
	[tilespmem:$0x1D080] =	vst v63  }
0x66: {  	s5 =	simm.s32 $0x800;
	s8 =	simm.s32 $0x1C280;
	s30 =	rddreg [dreg:$0x3]  }
0x67: {  	[tilespmem:s8], [sflag:$0x2] =	stream.strided.gather [hbm4b:s30+s4], $0x0, s5, s4, $0x38;
	[tilespmem:$0x1D080] =	vst v63  }
0x68: {  	s9 =	simm.s32 $0x1C680;
	s11 =	simm.s32 $0x1CA80;
	s31 =	rddreg [dreg:$0x10]  }
0x69: {  	[tilespmem:s9], [sflag:$0x2] =	stream.strided.gather [hbm4b:s31+s4], $0x0, s5, s4, $0x38;
	[tilespmem:$0x1D080] =	vst v63  }
0x6a: {  	s12 =	simm.s32 $0x1CE80;
	s13 =	simm.s32 $0x1CC00;
	s2 =	rddreg [dreg:$0x11]  }
0x6b: {  	[tilespmem:s11], [sflag:$0x2] =	stream.strided.gather [hbm4b:s2+s4], $0x0, s5, s4, $0x38;
	[tilespmem:$0x1D080] =	vst v63  }
0x6c: {  	s18 =	simm.s32 $0x1D000;
	s3 =	rddreg [dreg:$0x12];
	s19 =	simm.s32 $0x0  }
0x6d: {  	[tilespmem:s12], [sflag:$0x2] =	stream.strided.gather [hbm4b:s3+s4], $0x0, s5, s4, $0x38;
	[tilespmem:$0x1D080] =	vst v63  }
0x6e: {  	s17 =	rddreg [dreg:$0x15];
	s0 =	sand.u32 $0x3000, s19;
	s20 =	sand.u32 $0xC00, s6  }
0x6f: {  	[tilespmem:s8], [sflag:$0x2] =	stream.linear.gather [hbm4b:s30+s6], $0x180, $0x38;
	[tilespmem:$0x1D080] =	vst v63  }
0x70: {  	s21 =	simm.s32 $0x0;
	s0 =	sor.u32 s20, s0;
	s22 =	sand.u32 $0x40, s6  }
0x71: {  	[tilespmem:s9], [sflag:$0x2] =	stream.linear.gather [hbm4b:s31+s6], $0x180, $0x38;
	[tilespmem:$0x1D080] =	vst v63  }
0x72: {  	s25 =	simm.s32 $0x40;
	s28 =	simm.s32 $0x10;
	s5 =	rddreg [dreg:$0x4]  }
0x73: {  	[tilespmem:s11], [sflag:$0x2] =	stream.linear.gather [hbm4b:s2+s6], $0x180, $0x38;
	[tilespmem:$0x1D080] =	vst v63  }
0x74: {  	s8 =	simm.s32 $0x1C400;
	s9 =	rddreg [dreg:$0x13];
	s2 =	sand.u32 $0x380, s21  }
0x75: {  	[tilespmem:s12], [sflag:$0x2] =	stream.linear.gather [hbm4b:s3+s6], $0x180, $0x38;
	[tilespmem:$0x1D080] =	vst v63  }
0x76: {  	s11 =	simm.s32 $0x1C800;
	s24 =	sor.u32 s0, s2;
	s0 =	simm.s32 $0x200  }
0x77: {  	[tilespmem:s8], [sflag:$0x2] =	stream.linear.gather [hbm4b:s5+s6], $0x80, $0x38;
	[tilespmem:$0x1D080] =	vst v63  }
0x78: {  	s2 =	sand.u32 $0x3000, s25;
	s12 =	rddreg [dreg:$0x14];
	s26 =	sand.u32 $0xC00, s0  }
0x79: {  	[tilespmem:s11], [sflag:$0x2] =	stream.linear.gather [hbm4b:s9+s6], $0x80, $0x38;
	[tilespmem:$0x1D080] =	vst v63  }
0x7a: {  	s4 =	sor.u32 s26, s2;
	s2 =	simm.s32 $0x40;
	s11 =	sand.u32 $0x380, s28  }
0x7b: {  	[tilespmem:s13], [sflag:$0x2] =	stream.linear.gather [hbm4b:s12+s6], $0x80, $0x38;
	[tilespmem:$0x1D080] =	vst v63  }
0x7c: {  	s29 =	sor.u32 s22, s24;
	s31 =	sand.u32 $0x40, s2;
	s30 =	sor.u32 s4, s11  }
0x7d: {  	[tilespmem:s18], [sflag:$0x2] =	stream.linear.gather [hbm4b:s17+s6], $0x80, $0x38;
	[tilespmem:$0x1D080] =	vst v63  }
0x7e: {  	s3 =	simm.s32 $0x4;
	s4 =	sadd.s32 $0x10080, s29;
	s1 =	sor.u32 s31, s30;
	[tilespmem:s29+$0x10080] =	vst v1  }
.LBB2_2:
0x7f: {  	s3 =	sadd.s32 $0x4, s3  }
0x80: {  	[tilespmem:s4+$0x30] =	vst v1;
	p0 =	slt.u32 s3, $0x3FC  }
.Ltmp0:
0x81: {  	s0 =	sadd.s32 $0x200, s0;
	s11 =	sshll.u32 s3, $0x4;
	[tilespmem:s4+$0x10] =	vst v1;
	(pc) =	sbr.rel @p0 .LBB2_2-.Ltmp0, $4  }
0x82: {  	s12 =	sand.u32 $0xC00, s0;
	s13 =	sshll.u32 s3, $0x2;
	s11 =	sand.u32 $0x3000, s11;
	[tilespmem:s4+$0x20] =	vst v1  }
0x83: {  	s2 =	sadd.s32 $0x40, s2;
	s4 =	sand.u32 $0x380, s13;
	s11 =	sor.u32 s12, s11  }
0x84: {  	s12 =	sand.u32 $0x40, s2;
	s11 =	sor.u32 s11, s4  }
0x85: {  	s4 =	sadd.s32 $0x10080, s1;
	[tilespmem:s1+$0x10080] =	vst v1;
	s1 =	sor.u32 s12, s11  }
0x86: {  	[tilespmem:s4+$0x30] =	vst v1  }
0x87: {  	[tilespmem:s4+$0x10] =	vst v1  }
0x88: {  	[tilespmem:s4+$0x20] =	vst v1  }
0x89: {  	s0 =	sadd.s32 $0x10080, s1;
	[tilespmem:s1+$0x10080] =	vst v1  }
0x8a: {  	[tilespmem:s0+$0x30] =	vst v1  }
0x8b: {  	[tilespmem:s0+$0x10] =	vst v1  }
0x8c: {  	s21 =	simm.s32 $0x0;
	s3 =	simm.s32 $0x0;
	s2 =	simm.s32 $0x0;
	[tilespmem:s0+$0x20] =	vst v1  }
0x8d: {  	s26 =	simm.s32 $0x0;
	s12 =	simm.s32 $0x4;
	_ =	swait.ge [sflag:s14], $0x800  }
0x8e: {  	p0 =	por $0x1, $0x1;
	p1 =	por $0x1, $0x1;
	[sflag:s14] =	ssyncset.done $0x0  }
0x8f: {  	s22 =	sand.u32 $0x40, s21;
	s11 =	sand.u32 $0x380, s21;
	[sflag:s14] =	ssyncadd.s32 $0xFFFFF800  }
0x90: {  	s4 =	sand.u32 $0x3FFFFF80, s26;
	s0 =	sand.u32 $0xC00, s21;
	_ =	swait.ge [sflag:s14], $0x600  }
0x91: {  	s12 =	simm.s32 @!p0 $0xF;
	s24 =	sor.u32 $0x10, s22;
	[sflag:s14] =	ssyncset.done $0x0  }
0x92: {  	s12 =	smov.u32 @p1 s2;
	s28 =	sadd.s32 s0, s4;
	[sflag:s14] =	ssyncadd.s32 $0xFFFFFA00  }
0x93: {  	s29 =	sor.u32 $0x20, s22;
	s13 =	sor.u32 $0x30, s22;
	_ =	swait.ge [sflag:s14], $0x200  }
0x94: {  	s2 =	sadd.s32 $0x1C080, s28;
	s12 =	sshll.u32 s12, $0xC;
	[sflag:s14] =	ssyncset.done $0x0  }
0x95: {  	s17 =	sor.u32 s22, s2;
	s12 =	sand.u32 $0x3FFFF000, s12;
	[sflag:s14] =	ssyncadd.s32 $0xFFFFFE00  }
0x96: {  	s25 =	sor.u32 s24, s2;
	s30 =	sor.u32 s29, s2;
	s11 =	sor.u32 s11, s12;
	v2 =	vld [tilespmem:s17+$0x0]  }
0x97: {  	s31 =	sor.u32 s13, s2;
	s12 =	simm.s32 $0x200;
	s0 =	sor.u32 s0, s11;
	v3 =	vld [tilespmem:s30+$0x0]  }
0x98: {  	s11 =	simm.s32 $0x10;
	s2 =	sadd.s32 $0x80, s0;
	s0 =	simm.s32 $0x40;
	v4 =	vld [tilespmem:s31+$0x0]  }
0x99: {  	s1 =	sor.u32 s24, s2;
	s4 =	sor.u32 s29, s2;
	s17 =	sor.u32 s22, s2;
	v5 =	vld [tilespmem:s25+$0x0]  }
.LBB2_4:
0x9a: {  	s3 =	sadd.s32 $0x4, s3;
	s24 =	sand.u32 $0x40, s0;
	s2 =	sor.u32 s13, s2  }
0x9b: {  	s26 =	sand.u32 $0x380, s11;
	s13 =	sshrl.u32 s3, $0x8;
	s25 =	sshrl.u32 s3, $0x1;
	[tilespmem:s17+$0x0] =	vst v2  }
0x9c: {  	s28 =	sor.u32 $0x10, s24;
	s17 =	sadd.s32 $0x4, s13;
	s25 =	sand.u32 $0x3FFFFF80, s25;
	[tilespmem:s4+$0x0] =	vst v3  }
0x9d: {  	p1 =	slt.u32 s3, $0x700;
	p0 =	slt.u32 s3, $0x7FC;
	s4 =	sand.u32 $0xC00, s12;
	[tilespmem:s2+$0x0] =	vst v4  }
0x9e: {  	p2 =	slt.u32 s3, $0x400;
	s29 =	sor.u32 $0x20, s24;
	s17 =	simm.s32 @!p1 $0xF;
	[tilespmem:s1+$0x0] =	vst v5  }
0x9f: {  	s17 =	smov.u32 @p2 s13;
	s1 =	sadd.s32 s4, s25  }
0xa0: {  	s13 =	sor.u32 $0x30, s24;
	s1 =	sadd.s32 $0x1C080, s1;
	s2 =	sshll.u32 s17, $0xC  }
.Ltmp1:
0xa1: {  	s17 =	sor.u32 s24, s1;
	s2 =	sand.u32 $0x3FFFF000, s2;
	(pc) =	sbr.rel @p0 .LBB2_4-.Ltmp1, $4  }
0xa2: {  	s25 =	sor.u32 s28, s1;
	s2 =	sor.u32 s26, s2;
	v2 =	vld [tilespmem:s17+$0x0];
	s17 =	sor.u32 s29, s1  }
0xa3: {  	s11 =	sadd.s32 $0x10, s11;
	s2 =	sor.u32 s4, s2;
	s1 =	sor.u32 s13, s1;
	v3 =	vld [tilespmem:s17+$0x0]  }
0xa4: {  	s0 =	sadd.s32 $0x40, s0;
	s12 =	sadd.s32 $0x200, s12;
	s2 =	sadd.s32 $0x80, s2;
	v4 =	vld [tilespmem:s1+$0x0]  }
0xa5: {  	s17 =	sor.u32 s24, s2;
	s1 =	sor.u32 s28, s2;
	s4 =	sor.u32 s29, s2;
	v5 =	vld [tilespmem:s25+$0x0]  }
0xa6: {  	_ = 	snop  }
0xa7: {  	[tilespmem:s17+$0x0] =	vst v2  }
0xa8: {  	s0 =	sor.u32 s13, s2;
	[tilespmem:s4+$0x0] =	vst v3  }
0xa9: {  	[tilespmem:s0+$0x0] =	vst v4  }
0xaa: {  	[tilespmem:s1+$0x0] =	vst v5  }
0xab: {  	s22 =	simm.s32 $0x0;
	s3 =	simm.s32 $0x0;
	s1 =	rddreg [dreg:$0x8]  }
0xac: {  	s20 =	simm.s32 $0x0;
	s12 =	sand.u32 $0x40, s22;
	s24 =	rddreg [dreg:$0x16]  }
0xad: {  	s4 =	sand.u32 $0xC00, s22;
	s9 =	sor.u32 $0x20, s12;
	s25 =	rddreg [dreg:$0x17]  }
0xae: {  	s5 =	sor.u32 $0x14080, s4;
	s0 =	sand.u32 $0x7000, s22;
	s26 =	rddreg [dreg:$0x18]  }
0xaf: {  	[hbm4b:s1+s22] =	stream.linear.scatter [tilespmem:s15], [sflag:$0x3], $0x4000, $0x38;
	[tilespmem:$0x1D080] =	vst v63  }
0xb0: {  	s2 =	rddreg [dreg:$0x19];
	s1 =	sand.u32 $0x3, s3;
	s3 =	simm.s32 $0x0  }
0xb1: {  	s11 =	sshll.u32 s1, $0x7;
	s8 =	sshll.u32 s1, $0xC;
	s1 =	sor.u32 $0x4, s1  }
0xb2: {  	[hbm4b:s24+s22] =	stream.linear.scatter [tilespmem:s15], [sflag:$0x3], $0x4000, $0x38;
	[tilespmem:$0x1D080] =	vst v63  }
0xb3: {  	s3 =	sand.u32 $0x380, s3;
	s11 =	sadd.s32 s11, s5;
	s24 =	sor.u32 $0x10, s12  }
0xb4: {  	s13 =	sor.u32 s4, s8;
	s29 =	sshll.u32 s1, $0xC;
	s1 =	sshll.u32 s1, $0x7  }
0xb5: {  	s11 =	sadd.s32 s0, s11;
	s1 =	sadd.s32 s1, s5;
	s19 =	sor.u32 s3, s13  }
0xb6: {  	[hbm4b:s25+s22] =	stream.linear.scatter [tilespmem:s15], [sflag:$0x3], $0x4000, $0x38;
	[tilespmem:$0x1D080] =	vst v63  }
0xb7: {  	s25 =	sor.u32 $0x30, s12;
	s28 =	sor.u32 s24, s11;
	s0 =	sadd.s32 s0, s1  }
0xb8: {  	s1 =	sadd.s32 $0xB080, s19;
	s30 =	sor.u32 s25, s11;
	s18 =	sor.u32 s24, s0  }
0xb9: {  	[hbm4b:s26+s22] =	stream.linear.scatter [tilespmem:s15], [sflag:$0x3], $0x4000, $0x38;
	[tilespmem:$0x1D080] =	vst v63  }
0xba: {  	s19 =	sor.u32 s12, s1;
	s5 =	sor.u32 s24, s1;
	s17 =	sor.u32 s9, s0  }
0xbb: {  	[hbm4b:s2+s22] =	stream.linear.scatter [tilespmem:s15], [sflag:$0x3], $0x4000, $0x38;
	[tilespmem:$0x1D080] =	vst v63  }
0xbc: {  	s8 =	sor.u32 s25, s0;
	s26 =	sor.u32 s12, s11;
	s2 =	sor.u32 s4, s29  }
0xbd: {  	s4 =	sor.u32 s9, s11;
	s11 =	simm.s32 $0x4;
	_ =	swait.ge [sflag:s16], $0x8000  }
0xbe: {  	s2 =	sor.u32 s2, s3;
	s3 =	sor.u32 s12, s0;
	[sflag:s16] =	ssyncset.done $0x0  }
0xbf: {  	s0 =	sor.u32 s25, s1;
	s2 =	sadd.s32 $0x80, s2;
	[sflag:s16] =	ssyncadd.s32 $0xFFFF8000  }
0xc0: {  	s13 =	sor.u32 s12, s2;
	s29 =	sor.u32 s24, s2;
	s31 =	sor.u32 s9, s2;
	v2 =	vld [tilespmem:s26+$0x0]  }
0xc1: {  	s2 =	sor.u32 s25, s2;
	s24 =	sor.u32 s9, s1;
	s25 =	simm.s32 $0x80;
	v3 =	vld [tilespmem:s28+$0x0]  }
0xc2: {  	s12 =	simm.s32 $0x200;
	s1 =	sand.u32 $0x3, s20;
	s26 =	simm.s32 $0x40  }
0xc3: {  	s28 =	sand.u32 $0xC00, s12;
	s21 =	sshll.u32 s1, $0x7;
	s22 =	sshll.u32 s1, $0xC;
	v4 =	vld [tilespmem:s30+$0x0]  }
0xc4: {  	s30 =	sand.u32 $0x7000, s25;
	v5 =	vld [tilespmem:s4+$0x0];
	s1 =	sor.u32 $0x4, s1;
	s20 =	sor.u32 $0x14080, s28  }
0xc5: {  	s9 =	sand.u32 $0x40, s26;
	s4 =	sor.u32 s28, s22;
	s21 =	sadd.s32 s21, s20;
	[tilespmem:s13+$0x0] =	vst v2  }
0xc6: {  	s22 =	sshll.u32 s1, $0xC;
	s1 =	sshll.u32 s1, $0x7;
	[tilespmem:s29+$0x0] =	vst v3;
	v2 =	vld [tilespmem:s3+$0x0];
	s3 =	sadd.s32 s30, s21  }
0xc7: {  	s1 =	sadd.s32 s1, s20;
	v3 =	vld [tilespmem:s18+$0x0];
	s18 =	sor.u32 s28, s22;
	s22 =	sor.u32 s9, s3  }
0xc8: {  	s20 =	sadd.s32 s30, s1;
	s13 =	sor.u32 $0x20, s9;
	[tilespmem:s2+$0x0] =	vst v4;
	s2 =	sand.u32 $0x380, s11;
	v6 =	vld [tilespmem:s22+$0x0]  }
0xc9: {  	[tilespmem:s31+$0x0] =	vst v5;
	s21 =	sor.u32 $0x30, s9;
	v5 =	vld [tilespmem:s8+$0x0];
	s4 =	sor.u32 s2, s4;
	s22 =	sor.u32 s13, s3  }
0xca: {  	s29 =	sor.u32 s13, s20;
	s18 =	sor.u32 s18, s2;
	v7 =	vld [tilespmem:s22+$0x0];
	s22 =	sor.u32 $0x10, s9  }
0xcb: {  	v4 =	vld [tilespmem:s17+$0x0];
	s30 =	sor.u32 s21, s20;
	s8 =	sadd.s32 $0x80, s18;
	s1 =	sor.u32 s22, s3;
	[tilespmem:s19+$0x0] =	vst v2  }
0xcc: {  	s18 =	sor.u32 s9, s20;
	s28 =	sor.u32 s21, s8;
	[tilespmem:s5+$0x0] =	vst v3;
	s5 =	sor.u32 s9, s8;
	v2 =	vld [tilespmem:s1+$0x0]  }
0xcd: {  	s3 =	sor.u32 s21, s3;
	s2 =	sor.u32 s22, s8;
	[tilespmem:s5+$0x0] =	vst v6;
	s5 =	sadd.s32 $0xB080, s4  }
0xce: {  	s19 =	sor.u32 s13, s8;
	s1 =	sor.u32 s22, s20;
	[tilespmem:s0+$0x0] =	vst v5;
	s4 =	sor.u32 s9, s5;
	v3 =	vld [tilespmem:s18+$0x0]  }
0xcf: {  	s31 =	sor.u32 s22, s5;
	[tilespmem:s19+$0x0] =	vst v7;
	s17 =	sor.u32 s13, s5;
	s13 =	sor.u32 s21, s5  }
.LBB2_6:
0xd0: {  	s11 =	sadd.s32 $0x4, s11;
	s25 =	sadd.s32 $0x80, s25;
	[tilespmem:s24+$0x0] =	vst v4;
	s24 =	smov.u32 s17  }
0xd1: {  	s26 =	sadd.s32 $0x40, s26;
	s12 =	sadd.s32 $0x200, s12;
	s0 =	sshrl.u32 s11, $0x5;
	[tilespmem:s2+$0x0] =	vst v2  }
0xd2: {  	s5 =	sand.u32 $0x40, s26;
	s2 =	sand.u32 $0xC00, s12;
	s0 =	sand.u32 $0x3, s0;
	v2 =	vld [tilespmem:s1+$0x0]  }
0xd3: {  	s1 =	sor.u32 $0x14080, s2;
	s8 =	sshll.u32 s0, $0x7;
	s9 =	sshll.u32 s0, $0xC;
	[tilespmem:s4+$0x0] =	vst v3  }
0xd4: {  	s18 =	sor.u32 $0x20, s5;
	s4 =	sand.u32 $0x7000, s25;
	s8 =	sadd.s32 s8, s1;
	v3 =	vld [tilespmem:s3+$0x0]  }
0xd5: {  	s19 =	sor.u32 $0x30, s5;
	s0 =	sor.u32 $0x4, s0;
	s8 =	sadd.s32 s4, s8  }
0xd6: {  	s17 =	sand.u32 $0x380, s11;
	s20 =	sor.u32 $0x10, s5;
	s3 =	sor.u32 s5, s8  }
0xd7: {  	s9 =	sor.u32 s2, s9;
	s21 =	sor.u32 s20, s8;
	v5 =	vld [tilespmem:s3+$0x0];
	s3 =	sor.u32 s19, s8;
	[tilespmem:s31+$0x0] =	vst v2  }
0xd8: {  	s22 =	sshll.u32 s0, $0xC;
	s0 =	sshll.u32 s0, $0x7;
	s8 =	sor.u32 s18, s8;
	v2 =	vld [tilespmem:s21+$0x0]  }
0xd9: {  	s2 =	sor.u32 s2, s22;
	s0 =	sadd.s32 s0, s1;
	s1 =	sor.u32 s17, s9;
	v6 =	vld [tilespmem:s8+$0x0];
	[tilespmem:s28+$0x0] =	vst v3  }
0xda: {  	p0 =	slt.u32 s11, $0x3FC;
	s2 =	sor.u32 s2, s17;
	s0 =	sadd.s32 s4, s0;
	v7 =	vld [tilespmem:s30+$0x0]  }
.Ltmp2:
0xdb: {  	s4 =	sadd.s32 $0x80, s2;
	s8 =	sor.u32 s5, s0;
	v4 =	vld [tilespmem:s29+$0x0];
	(pc) =	sbr.rel @p0 .LBB2_6-.Ltmp2, $4  }
0xdc: {  	s9 =	sor.u32 s5, s4;
	s2 =	sor.u32 s20, s4;
	s17 =	sor.u32 s18, s4  }
0xdd: {  	s28 =	sor.u32 s19, s4;
	[tilespmem:s9+$0x0] =	vst v5;
	s9 =	sadd.s32 $0xB080, s1;
	s1 =	sor.u32 s20, s0  }
0xde: {  	v3 =	vld [tilespmem:s8+$0x0];
	s4 =	sor.u32 s5, s9;
	s31 =	sor.u32 s20, s9;
	[tilespmem:s17+$0x0] =	vst v6;
	s17 =	sor.u32 s18, s9  }
0xdf: {  	s30 =	sor.u32 s19, s0;
	s29 =	sor.u32 s18, s0;
	[tilespmem:s13+$0x0] =	vst v7;
	s13 =	sor.u32 s19, s9  }
0xe0: {  	v5 =	vld [tilespmem:s3+$0x0];
	_ =	sdelay $0x3  }
0xe1: {  	[tilespmem:s2+$0x0] =	vst v2;
	v6 =	vld [tilespmem:s29+$0x0]  }
0xe2: {  	v2 =	vld [tilespmem:s1+$0x0];
	[tilespmem:s28+$0x0] =	vst v5  }
0xe3: {  	v5 =	vld [tilespmem:s30+$0x0]  }
0xe4: {  	[tilespmem:s24+$0x0] =	vst v4  }
0xe5: {  	[tilespmem:s4+$0x0] =	vst v3  }
0xe6: {  	[tilespmem:s17+$0x0] =	vst v6  }
0xe7: {  	[tilespmem:s31+$0x0] =	vst v2  }
0xe8: {  	[tilespmem:s13+$0x0] =	vst v5  }
0xe9: {  	v2 =	vld.msk [tilespmem:$0x8], $0xff;
	_ =	sdelay $0x4  }
0xea: {  	v2 =	vshll.u32 v2, $0xC  }
0xeb: {  	v2 =	vperm.xlane v2, v0;
	_ =	sdelay $0x1  }
0xec: {  	s12 =	rddreg [dreg:$0x1]  }
0xed: {  	s20 =	rddreg [dreg:$0x1a]  }
0xee: {  	s0 =	simm.s32 $0x0;
	s21 =	rddreg [dreg:$0x1b]  }
0xef: {  	s18 =	simm.s32 $0x80000;
	s13 =	simm.s32 $0x14080;
	s22 =	rddreg [dreg:$0x1c]  }
0xf0: {  	[tilespmem:s13], [sflag:$0x1] =	stream.indirect_vreg.gather [hbm4b:s12+s0], $0x1000, v2, vm0, $0x38;
	[tilespmem:$0x1D080] =	vst v63  }
0xf1: {  	s19 =	simm.s32 $0x80;
	s17 =	simm.s32 $0x1000;
	s24 =	rddreg [dreg:$0x1d]  }
0xf2: {  	[hbm4b:s7+s17] =	stream.strided.scatter [tilespmem:s19], [sflag:$0x2], $0x10000, s18, s17, $0x38;
	[tilespmem:$0x1D080] =	vst v63  }
0xf3: {  	s25 =	rddreg [dreg:$0x1e]  }
0xf4: {  	[hbm4b:s20+s0] =	stream.linear.scatter [tilespmem:s15], [sflag:$0x3], $0x4000, $0x38;
	[tilespmem:$0x1D080] =	vst v63  }
0xf5: {  	s26 =	rddreg [dreg:$0x1f]  }
0xf6: {  	[hbm4b:s21+s0] =	stream.linear.scatter [tilespmem:s15], [sflag:$0x3], $0x4000, $0x38;
	[tilespmem:$0x1D080] =	vst v63  }
0xf7: {  	s2 =	sld [smem:$0x7CC]  }
0xf8: {  	[hbm4b:s22+s0] =	stream.linear.scatter [tilespmem:s15], [sflag:$0x3], $0x4000, $0x38;
	[tilespmem:$0x1D080] =	vst v63  }
0xf9: {  	s3 =	sld [smem:$0x7CD]  }
0xfa: {  	[hbm4b:s24+s0] =	stream.linear.scatter [tilespmem:s15], [sflag:$0x3], $0x4000, $0x38;
	[tilespmem:$0x1D080] =	vst v63  }
0xfb: {  	s4 =	sld [smem:$0x7CE]  }
0xfc: {  	[hbm4b:s25+s0] =	stream.linear.scatter [tilespmem:s15], [sflag:$0x3], $0x4000, $0x38;
	[tilespmem:$0x1D080] =	vst v63  }
0xfd: {  	s5 =	sld [smem:$0x7CF]  }
0xfe: {  	[hbm4b:s26+s0] =	stream.linear.scatter [tilespmem:s15], [sflag:$0x3], $0x4000, $0x38;
	[tilespmem:$0x1D080] =	vst v63  }
0xff: {  	s8 =	sld [smem:$0x7D0]  }
0x100: {  	[hbm4b:s2+s0] =	stream.linear.scatter [tilespmem:s15], [sflag:$0x3], $0x4000, $0x38;
	[tilespmem:$0x1D080] =	vst v63  }
0x101: {  	s9 =	sld [smem:$0x7D1]  }
0x102: {  	[hbm4b:s3+s0] =	stream.linear.scatter [tilespmem:s15], [sflag:$0x3], $0x4000, $0x38;
	[tilespmem:$0x1D080] =	vst v63  }
0x103: {  	s11 =	sld [smem:$0x7D2];
	s13 =	simm.s32 $0x0  }
0x104: {  	[hbm4b:s4+s0] =	stream.linear.scatter [tilespmem:s15], [sflag:$0x3], $0x4000, $0x38;
	[tilespmem:$0x1D080] =	vst v63  }
0x105: {  	s12 =	sld [smem:$0x7D3];
	s1 =	sand.u32 $0x3, s13;
	s17 =	sand.u32 $0xC00, s0  }
0x106: {  	[hbm4b:s5+s0] =	stream.linear.scatter [tilespmem:s15], [sflag:$0x3], $0x4000, $0x38;
	[tilespmem:$0x1D080] =	vst v63  }
0x107: {  	s20 =	simm.s32 $0x0;
	s21 =	sor.u32 $0x14080, s17;
	s5 =	sshll.u32 s1, $0x7  }
0x108: {  	[hbm4b:s8+s0] =	stream.linear.scatter [tilespmem:s15], [sflag:$0x3], $0x4000, $0x38;
	[tilespmem:$0x1D080] =	vst v63  }
0x109: {  	s3 =	sand.u32 $0x380, s20;
	s5 =	sadd.s32 s5, s21;
	s8 =	sand.u32 $0x40, s0  }
0x10a: {  	[hbm4b:s9+s0] =	stream.linear.scatter [tilespmem:s15], [sflag:$0x3], $0x4000, $0x38;
	[tilespmem:$0x1D080] =	vst v63  }
0x10b: {  	s25 =	sor.u32 $0x10, s8;
	s9 =	sshll.u32 s1, $0xC;
	s1 =	sor.u32 $0x4, s1  }
0x10c: {  	s9 =	sor.u32 s17, s9;
	s19 =	sshll.u32 s1, $0xC;
	s1 =	sshll.u32 s1, $0x7  }
0x10d: {  	[hbm4b:s11+s0] =	stream.linear.scatter [tilespmem:s15], [sflag:$0x3], $0x4000, $0x38;
	[tilespmem:$0x1D080] =	vst v63  }
0x10e: {  	s11 =	sor.u32 $0x20, s8;
	s2 =	sor.u32 s17, s19;
	s1 =	sadd.s32 s1, s21  }
0x10f: {  	[hbm4b:s12+s0] =	stream.linear.scatter [tilespmem:s15], [sflag:$0x3], $0x4000, $0x38;
	[tilespmem:$0x1D080] =	vst v63  }
0x110: {  	s26 =	sor.u32 s3, s9;
	s2 =	sor.u32 s2, s3;
	s0 =	sand.u32 $0x7000, s0  }
0x111: {  	s12 =	sor.u32 $0x30, s8;
	s2 =	sadd.s32 $0x80, s2;
	_ =	swait.ge [sflag:s16], $0x8000  }
0x112: {  	s5 =	sadd.s32 s0, s5;
	s0 =	sadd.s32 s0, s1;
	s9 =	sor.u32 s25, s2  }
0x113: {  	s19 =	sor.u32 s11, s2;
	s1 =	sadd.s32 $0xB080, s26;
	s26 =	simm.s32 $0x40  }
0x114: {  	[sflag:s16] =	ssyncset.done $0x0;
	s22 =	sor.u32 s8, s5;
	s18 =	sor.u32 s25, s5  }
0x115: {  	s20 =	sor.u32 s12, s5;
	s4 =	sor.u32 s11, s5;
	[sflag:s16] =	ssyncadd.s32 $0xFFFF8000  }
0x116: {  	s3 =	sor.u32 s8, s0;
	s5 =	sor.u32 s8, s2;
	_ =	swait.ge [sflag:s14], $0x10000  }
0x117: {  	s21 =	sor.u32 s25, s0;
	s2 =	sor.u32 s12, s2;
	[sflag:s14] =	ssyncset.done $0x0  }
0x118: {  	s8 =	sor.u32 s8, s1;
	s17 =	sor.u32 s25, s1;
	[sflag:s14] =	ssyncadd.s32 $0xFFFF0000  }
0x119: {  	s24 =	sor.u32 s11, s1;
	s13 =	sor.u32 s11, s0;
	s11 =	simm.s32 $0x4;
	v2 =	vld [tilespmem:s22+$0x0]  }
0x11a: {  	s25 =	simm.s32 $0x80;
	s29 =	sand.u32 $0x40, s26;
	s22 =	sor.u32 s12, s0;
	v3 =	vld [tilespmem:s18+$0x0]  }
0x11b: {  	s0 =	sor.u32 s12, s1;
	s12 =	simm.s32 $0x200;
	s1 =	simm.s32 $0x0;
	v4 =	vld [tilespmem:s20+$0x0]  }
0x11c: {  	s20 =	sand.u32 $0x7000, s25;
	s18 =	sand.u32 $0xC00, s12;
	s1 =	sand.u32 $0x3, s1  }
0x11d: {  	v5 =	vld [tilespmem:s4+$0x0];
	s28 =	sor.u32 $0x14080, s18;
	s30 =	sshll.u32 s1, $0x7;
	s31 =	sshll.u32 s1, $0xC  }
0x11e: {  	s1 =	sor.u32 $0x4, s1;
	s4 =	sadd.s32 s30, s28;
	[tilespmem:s5+$0x0] =	vst v2;
	s5 =	sor.u32 $0x20, s29  }
0x11f: {  	[tilespmem:s9+$0x0] =	vst v3;
	s9 =	sshll.u32 s1, $0xC;
	s1 =	sshll.u32 s1, $0x7;
	v2 =	vld [tilespmem:s3+$0x0];
	s3 =	sadd.s32 s20, s4  }
0x120: {  	[tilespmem:s2+$0x0] =	vst v4;
	s2 =	sand.u32 $0x380, s11;
	s4 =	sor.u32 s18, s31;
	v3 =	vld [tilespmem:s21+$0x0];
	s21 =	sor.u32 s29, s3  }
0x121: {  	s9 =	sor.u32 s18, s9;
	s18 =	sor.u32 $0x30, s29;
	s1 =	sadd.s32 s1, s28;
	v6 =	vld [tilespmem:s21+$0x0]  }
0x122: {  	[tilespmem:s19+$0x0] =	vst v5;
	v5 =	vld [tilespmem:s22+$0x0];
	s20 =	sadd.s32 s20, s1;
	s9 =	sor.u32 s9, s2;
	s21 =	sor.u32 s5, s3  }
0x123: {  	s4 =	sor.u32 s2, s4;
	s30 =	sor.u32 s18, s20;
	v7 =	vld [tilespmem:s21+$0x0];
	s21 =	sor.u32 $0x10, s29  }
0x124: {  	v4 =	vld [tilespmem:s13+$0x0];
	s1 =	sor.u32 s21, s3;
	s3 =	sor.u32 s18, s3;
	[tilespmem:s8+$0x0] =	vst v2;
	s8 =	sadd.s32 $0x80, s9  }
0x125: {  	s9 =	sor.u32 s29, s20;
	[tilespmem:s17+$0x0] =	vst v3;
	v2 =	vld [tilespmem:s1+$0x0];
	s1 =	sor.u32 s21, s20;
	s22 =	sor.u32 s29, s8  }
0x126: {  	s2 =	sor.u32 s21, s8;
	s19 =	sor.u32 s5, s8;
	[tilespmem:s22+$0x0] =	vst v6;
	s22 =	sadd.s32 $0xB080, s4  }
0x127: {  	[tilespmem:s0+$0x0] =	vst v5;
	s28 =	sor.u32 s18, s8;
	s4 =	sor.u32 s29, s22;
	s31 =	sor.u32 s21, s22;
	v3 =	vld [tilespmem:s9+$0x0]  }
0x128: {  	[tilespmem:s19+$0x0] =	vst v7;
	s17 =	sor.u32 s5, s22;
	s29 =	sor.u32 s5, s20;
	s13 =	sor.u32 s18, s22  }
.LBB2_8:
0x129: {  	s11 =	sadd.s32 $0x4, s11;
	s25 =	sadd.s32 $0x80, s25;
	[tilespmem:s24+$0x0] =	vst v4;
	s24 =	smov.u32 s17  }
0x12a: {  	s26 =	sadd.s32 $0x40, s26;
	s12 =	sadd.s32 $0x200, s12;
	s0 =	sshrl.u32 s11, $0x5;
	[tilespmem:s2+$0x0] =	vst v2  }
0x12b: {  	s5 =	sand.u32 $0x40, s26;
	s2 =	sand.u32 $0xC00, s12;
	s0 =	sand.u32 $0x3, s0;
	v2 =	vld [tilespmem:s1+$0x0]  }
0x12c: {  	s1 =	sor.u32 $0x14080, s2;
	s8 =	sshll.u32 s0, $0x7;
	s9 =	sshll.u32 s0, $0xC;
	[tilespmem:s4+$0x0] =	vst v3  }
0x12d: {  	s18 =	sor.u32 $0x20, s5;
	s4 =	sand.u32 $0x7000, s25;
	s8 =	sadd.s32 s8, s1;
	v3 =	vld [tilespmem:s3+$0x0]  }
0x12e: {  	s19 =	sor.u32 $0x30, s5;
	s0 =	sor.u32 $0x4, s0;
	s8 =	sadd.s32 s4, s8  }
0x12f: {  	s17 =	sand.u32 $0x380, s11;
	s20 =	sor.u32 $0x10, s5;
	s3 =	sor.u32 s5, s8  }
0x130: {  	s9 =	sor.u32 s2, s9;
	s21 =	sor.u32 s20, s8;
	v5 =	vld [tilespmem:s3+$0x0];
	s3 =	sor.u32 s19, s8;
	[tilespmem:s31+$0x0] =	vst v2  }
0x131: {  	s22 =	sshll.u32 s0, $0xC;
	s0 =	sshll.u32 s0, $0x7;
	s8 =	sor.u32 s18, s8;
	v2 =	vld [tilespmem:s21+$0x0]  }
0x132: {  	s2 =	sor.u32 s2, s22;
	s0 =	sadd.s32 s0, s1;
	s1 =	sor.u32 s17, s9;
	v6 =	vld [tilespmem:s8+$0x0];
	[tilespmem:s28+$0x0] =	vst v3  }
0x133: {  	p0 =	slt.u32 s11, $0x3FC;
	s2 =	sor.u32 s2, s17;
	s0 =	sadd.s32 s4, s0;
	v7 =	vld [tilespmem:s30+$0x0]  }
.Ltmp3:
0x134: {  	s4 =	sadd.s32 $0x80, s2;
	s8 =	sor.u32 s5, s0;
	v4 =	vld [tilespmem:s29+$0x0];
	(pc) =	sbr.rel @p0 .LBB2_8-.Ltmp3, $4  }
0x135: {  	s9 =	sor.u32 s5, s4;
	s2 =	sor.u32 s20, s4;
	s17 =	sor.u32 s18, s4  }
0x136: {  	s28 =	sor.u32 s19, s4;
	[tilespmem:s9+$0x0] =	vst v5;
	s9 =	sadd.s32 $0xB080, s1;
	s1 =	sor.u32 s20, s0  }
0x137: {  	v3 =	vld [tilespmem:s8+$0x0];
	s4 =	sor.u32 s5, s9;
	s31 =	sor.u32 s20, s9;
	[tilespmem:s17+$0x0] =	vst v6;
	s17 =	sor.u32 s18, s9  }
0x138: {  	s30 =	sor.u32 s19, s0;
	s29 =	sor.u32 s18, s0;
	[tilespmem:s13+$0x0] =	vst v7;
	s13 =	sor.u32 s19, s9  }
0x139: {  	v5 =	vld [tilespmem:s3+$0x0];
	_ =	sdelay $0x3  }
0x13a: {  	[tilespmem:s2+$0x0] =	vst v2;
	v6 =	vld [tilespmem:s29+$0x0]  }
0x13b: {  	v2 =	vld [tilespmem:s1+$0x0];
	[tilespmem:s28+$0x0] =	vst v5  }
0x13c: {  	v5 =	vld [tilespmem:s30+$0x0]  }
0x13d: {  	[tilespmem:s24+$0x0] =	vst v4  }
0x13e: {  	[tilespmem:s4+$0x0] =	vst v3  }
0x13f: {  	[tilespmem:s17+$0x0] =	vst v6  }
0x140: {  	[tilespmem:s31+$0x0] =	vst v2  }
0x141: {  	[tilespmem:s13+$0x0] =	vst v5  }
0x142: {  	v2 =	vld.msk [tilespmem:$0x10], $0xff;
	_ =	sdelay $0x4  }
0x143: {  	v2 =	vshll.u32 v2, $0xC  }
0x144: {  	v2 =	vperm.xlane v2, v0  }
0x145: {  	s11 =	rddreg [dreg:$0x1]  }
0x146: {  	s13 =	rddreg [dreg:$0x9]  }
0x147: {  	s20 =	sld [smem:$0x7D4]  }
0x148: {  	s0 =	simm.s32 $0x0;
	s21 =	sld [smem:$0x7D5]  }
0x149: {  	s12 =	simm.s32 $0x14080;
	s18 =	simm.s32 $0x80000;
	s22 =	sld [smem:$0x7D6]  }
0x14a: {  	[tilespmem:s12], [sflag:$0x1] =	stream.indirect_vreg.gather [hbm4b:s11+s0], $0x1000, v2, vm0, $0x38;
	[tilespmem:$0x1D080] =	vst v63  }
0x14b: {  	s19 =	simm.s32 $0x80;
	s17 =	simm.s32 $0x1000;
	s24 =	sld [smem:$0x7D7]  }
0x14c: {  	[hbm4b:s13+s17] =	stream.strided.scatter [tilespmem:s19], [sflag:$0x2], $0x10000, s18, s17, $0x38;
	[tilespmem:$0x1D080] =	vst v63  }
0x14d: {  	s25 =	sld [smem:$0x7D8]  }
0x14e: {  	[hbm4b:s20+s0] =	stream.linear.scatter [tilespmem:s15], [sflag:$0x3], $0x4000, $0x38;
	[tilespmem:$0x1D080] =	vst v63  }
0x14f: {  	s26 =	sld [smem:$0x7D9]  }
0x150: {  	[hbm4b:s21+s0] =	stream.linear.scatter [tilespmem:s15], [sflag:$0x3], $0x4000, $0x38;
	[tilespmem:$0x1D080] =	vst v63  }
0x151: {  	s2 =	sld [smem:$0x7DA]  }
0x152: {  	[hbm4b:s22+s0] =	stream.linear.scatter [tilespmem:s15], [sflag:$0x3], $0x4000, $0x38;
	[tilespmem:$0x1D080] =	vst v63  }
0x153: {  	s3 =	sld [smem:$0x7DB]  }
0x154: {  	[hbm4b:s24+s0] =	stream.linear.scatter [tilespmem:s15], [sflag:$0x3], $0x4000, $0x38;
	[tilespmem:$0x1D080] =	vst v63  }
0x155: {  	s4 =	sld [smem:$0x7DC]  }
0x156: {  	[hbm4b:s25+s0] =	stream.linear.scatter [tilespmem:s15], [sflag:$0x3], $0x4000, $0x38;
	[tilespmem:$0x1D080] =	vst v63  }
0x157: {  	s5 =	sld [smem:$0x7DD]  }
0x158: {  	[hbm4b:s26+s0] =	stream.linear.scatter [tilespmem:s15], [sflag:$0x3], $0x4000, $0x38;
	[tilespmem:$0x1D080] =	vst v63  }
0x159: {  	s8 =	sld [smem:$0x7DE]  }
0x15a: {  	[hbm4b:s2+s0] =	stream.linear.scatter [tilespmem:s15], [sflag:$0x3], $0x4000, $0x38;
	[tilespmem:$0x1D080] =	vst v63  }
0x15b: {  	s9 =	sld [smem:$0x7DF]  }
0x15c: {  	[hbm4b:s3+s0] =	stream.linear.scatter [tilespmem:s15], [sflag:$0x3], $0x4000, $0x38;
	[tilespmem:$0x1D080] =	vst v63  }
0x15d: {  	s11 =	sld [smem:$0x7E0];
	s13 =	simm.s32 $0x0  }
0x15e: {  	[hbm4b:s4+s0] =	stream.linear.scatter [tilespmem:s15], [sflag:$0x3], $0x4000, $0x38;
	[tilespmem:$0x1D080] =	vst v63  }
0x15f: {  	s12 =	sld [smem:$0x7E1];
	s17 =	sand.u32 $0xC00, s0;
	s1 =	sand.u32 $0x3, s13  }
0x160: {  	[hbm4b:s5+s0] =	stream.linear.scatter [tilespmem:s15], [sflag:$0x3], $0x4000, $0x38;
	[tilespmem:$0x1D080] =	vst v63  }
0x161: {  	s20 =	simm.s32 $0x0;
	s21 =	sor.u32 $0x14080, s17;
	s5 =	sshll.u32 s1, $0x7  }
0x162: {  	[hbm4b:s8+s0] =	stream.linear.scatter [tilespmem:s15], [sflag:$0x3], $0x4000, $0x38;
	[tilespmem:$0x1D080] =	vst v63  }
0x163: {  	s3 =	sand.u32 $0x380, s20;
	s5 =	sadd.s32 s5, s21;
	s8 =	sand.u32 $0x40, s0  }
0x164: {  	[hbm4b:s9+s0] =	stream.linear.scatter [tilespmem:s15], [sflag:$0x3], $0x4000, $0x38;
	[tilespmem:$0x1D080] =	vst v63  }
0x165: {  	s25 =	sor.u32 $0x10, s8;
	s9 =	sshll.u32 s1, $0xC;
	s1 =	sor.u32 $0x4, s1  }
0x166: {  	s9 =	sor.u32 s17, s9;
	s19 =	sshll.u32 s1, $0xC;
	s1 =	sshll.u32 s1, $0x7  }
0x167: {  	[hbm4b:s11+s0] =	stream.linear.scatter [tilespmem:s15], [sflag:$0x3], $0x4000, $0x38;
	[tilespmem:$0x1D080] =	vst v63  }
0x168: {  	s11 =	sor.u32 $0x20, s8;
	s2 =	sor.u32 s17, s19;
	s1 =	sadd.s32 s1, s21  }
0x169: {  	[hbm4b:s12+s0] =	stream.linear.scatter [tilespmem:s15], [sflag:$0x3], $0x4000, $0x38;
	[tilespmem:$0x1D080] =	vst v63  }
0x16a: {  	s26 =	sor.u32 s3, s9;
	s2 =	sor.u32 s2, s3;
	s0 =	sand.u32 $0x7000, s0  }
0x16b: {  	s12 =	sor.u32 $0x30, s8;
	s2 =	sadd.s32 $0x80, s2;
	_ =	swait.ge [sflag:s16], $0x8000  }
0x16c: {  	s5 =	sadd.s32 s0, s5;
	s0 =	sadd.s32 s0, s1;
	s9 =	sor.u32 s25, s2  }
0x16d: {  	s19 =	sor.u32 s11, s2;
	s1 =	sadd.s32 $0xB080, s26;
	s26 =	simm.s32 $0x40  }
0x16e: {  	[sflag:s16] =	ssyncset.done $0x0;
	s22 =	sor.u32 s8, s5;
	s18 =	sor.u32 s25, s5  }
0x16f: {  	s20 =	sor.u32 s12, s5;
	s4 =	sor.u32 s11, s5;
	[sflag:s16] =	ssyncadd.s32 $0xFFFF8000  }
0x170: {  	s3 =	sor.u32 s8, s0;
	s5 =	sor.u32 s8, s2;
	_ =	swait.ge [sflag:s14], $0x10000  }
0x171: {  	s21 =	sor.u32 s25, s0;
	s2 =	sor.u32 s12, s2;
	[sflag:s14] =	ssyncset.done $0x0  }
0x172: {  	s8 =	sor.u32 s8, s1;
	s17 =	sor.u32 s25, s1;
	[sflag:s14] =	ssyncadd.s32 $0xFFFF0000  }
0x173: {  	s24 =	sor.u32 s11, s1;
	s13 =	sor.u32 s11, s0;
	s11 =	simm.s32 $0x4;
	v2 =	vld [tilespmem:s22+$0x0]  }
0x174: {  	s25 =	simm.s32 $0x80;
	s29 =	sand.u32 $0x40, s26;
	s22 =	sor.u32 s12, s0;
	v3 =	vld [tilespmem:s18+$0x0]  }
0x175: {  	s0 =	sor.u32 s12, s1;
	s12 =	simm.s32 $0x200;
	s1 =	simm.s32 $0x0;
	v4 =	vld [tilespmem:s20+$0x0]  }
0x176: {  	s20 =	sand.u32 $0x7000, s25;
	s18 =	sand.u32 $0xC00, s12;
	s1 =	sand.u32 $0x3, s1  }
0x177: {  	v5 =	vld [tilespmem:s4+$0x0];
	s28 =	sor.u32 $0x14080, s18;
	s30 =	sshll.u32 s1, $0x7;
	s31 =	sshll.u32 s1, $0xC  }
0x178: {  	s1 =	sor.u32 $0x4, s1;
	s4 =	sadd.s32 s30, s28;
	[tilespmem:s5+$0x0] =	vst v2;
	s5 =	sor.u32 $0x20, s29  }
0x179: {  	[tilespmem:s9+$0x0] =	vst v3;
	s9 =	sshll.u32 s1, $0xC;
	s1 =	sshll.u32 s1, $0x7;
	v2 =	vld [tilespmem:s3+$0x0];
	s3 =	sadd.s32 s20, s4  }
0x17a: {  	[tilespmem:s2+$0x0] =	vst v4;
	s2 =	sand.u32 $0x380, s11;
	s4 =	sor.u32 s18, s31;
	v3 =	vld [tilespmem:s21+$0x0];
	s21 =	sor.u32 s29, s3  }
0x17b: {  	s9 =	sor.u32 s18, s9;
	s18 =	sor.u32 $0x30, s29;
	s1 =	sadd.s32 s1, s28;
	v6 =	vld [tilespmem:s21+$0x0]  }
0x17c: {  	[tilespmem:s19+$0x0] =	vst v5;
	v5 =	vld [tilespmem:s22+$0x0];
	s20 =	sadd.s32 s20, s1;
	s9 =	sor.u32 s9, s2;
	s21 =	sor.u32 s5, s3  }
0x17d: {  	s4 =	sor.u32 s2, s4;
	s30 =	sor.u32 s18, s20;
	v7 =	vld [tilespmem:s21+$0x0];
	s21 =	sor.u32 $0x10, s29  }
0x17e: {  	v4 =	vld [tilespmem:s13+$0x0];
	s1 =	sor.u32 s21, s3;
	s3 =	sor.u32 s18, s3;
	[tilespmem:s8+$0x0] =	vst v2;
	s8 =	sadd.s32 $0x80, s9  }
0x17f: {  	s9 =	sor.u32 s29, s20;
	[tilespmem:s17+$0x0] =	vst v3;
	v2 =	vld [tilespmem:s1+$0x0];
	s1 =	sor.u32 s21, s20;
	s22 =	sor.u32 s29, s8  }
0x180: {  	s2 =	sor.u32 s21, s8;
	s19 =	sor.u32 s5, s8;
	[tilespmem:s22+$0x0] =	vst v6;
	s22 =	sadd.s32 $0xB080, s4  }
0x181: {  	[tilespmem:s0+$0x0] =	vst v5;
	s28 =	sor.u32 s18, s8;
	s4 =	sor.u32 s29, s22;
	s31 =	sor.u32 s21, s22;
	v3 =	vld [tilespmem:s9+$0x0]  }
0x182: {  	[tilespmem:s19+$0x0] =	vst v7;
	s17 =	sor.u32 s5, s22;
	s29 =	sor.u32 s5, s20;
	s13 =	sor.u32 s18, s22  }
.LBB2_10:
0x183: {  	s11 =	sadd.s32 $0x4, s11;
	s25 =	sadd.s32 $0x80, s25;
	[tilespmem:s24+$0x0] =	vst v4;
	s24 =	smov.u32 s17  }
0x184: {  	s26 =	sadd.s32 $0x40, s26;
	s12 =	sadd.s32 $0x200, s12;
	s0 =	sshrl.u32 s11, $0x5;
	[tilespmem:s2+$0x0] =	vst v2  }
0x185: {  	s5 =	sand.u32 $0x40, s26;
	s2 =	sand.u32 $0xC00, s12;
	s0 =	sand.u32 $0x3, s0;
	v2 =	vld [tilespmem:s1+$0x0]  }
0x186: {  	s1 =	sor.u32 $0x14080, s2;
	s8 =	sshll.u32 s0, $0x7;
	s9 =	sshll.u32 s0, $0xC;
	[tilespmem:s4+$0x0] =	vst v3  }
0x187: {  	s18 =	sor.u32 $0x20, s5;
	s4 =	sand.u32 $0x7000, s25;
	s8 =	sadd.s32 s8, s1;
	v3 =	vld [tilespmem:s3+$0x0]  }
0x188: {  	s19 =	sor.u32 $0x30, s5;
	s0 =	sor.u32 $0x4, s0;
	s8 =	sadd.s32 s4, s8  }
0x189: {  	s17 =	sand.u32 $0x380, s11;
	s20 =	sor.u32 $0x10, s5;
	s3 =	sor.u32 s5, s8  }
0x18a: {  	s9 =	sor.u32 s2, s9;
	s21 =	sor.u32 s20, s8;
	v5 =	vld [tilespmem:s3+$0x0];
	s3 =	sor.u32 s19, s8;
	[tilespmem:s31+$0x0] =	vst v2  }
0x18b: {  	s22 =	sshll.u32 s0, $0xC;
	s0 =	sshll.u32 s0, $0x7;
	s8 =	sor.u32 s18, s8;
	v2 =	vld [tilespmem:s21+$0x0]  }
0x18c: {  	s2 =	sor.u32 s2, s22;
	s0 =	sadd.s32 s0, s1;
	s1 =	sor.u32 s17, s9;
	v6 =	vld [tilespmem:s8+$0x0];
	[tilespmem:s28+$0x0] =	vst v3  }
0x18d: {  	p0 =	slt.u32 s11, $0x3FC;
	s2 =	sor.u32 s2, s17;
	s0 =	sadd.s32 s4, s0;
	v7 =	vld [tilespmem:s30+$0x0]  }
.Ltmp4:
0x18e: {  	s4 =	sadd.s32 $0x80, s2;
	s8 =	sor.u32 s5, s0;
	v4 =	vld [tilespmem:s29+$0x0];
	(pc) =	sbr.rel @p0 .LBB2_10-.Ltmp4, $4  }
0x18f: {  	s9 =	sor.u32 s5, s4;
	s2 =	sor.u32 s20, s4;
	s17 =	sor.u32 s18, s4  }
0x190: {  	s28 =	sor.u32 s19, s4;
	[tilespmem:s9+$0x0] =	vst v5;
	s9 =	sadd.s32 $0xB080, s1;
	s1 =	sor.u32 s20, s0  }
0x191: {  	v3 =	vld [tilespmem:s8+$0x0];
	s4 =	sor.u32 s5, s9;
	s31 =	sor.u32 s20, s9;
	[tilespmem:s17+$0x0] =	vst v6;
	s17 =	sor.u32 s18, s9  }
0x192: {  	s30 =	sor.u32 s19, s0;
	s29 =	sor.u32 s18, s0;
	[tilespmem:s13+$0x0] =	vst v7;
	s13 =	sor.u32 s19, s9  }
0x193: {  	v5 =	vld [tilespmem:s3+$0x0];
	_ =	sdelay $0x3  }
0x194: {  	[tilespmem:s2+$0x0] =	vst v2;
	v6 =	vld [tilespmem:s29+$0x0]  }
0x195: {  	v2 =	vld [tilespmem:s1+$0x0];
	[tilespmem:s28+$0x0] =	vst v5  }
0x196: {  	v5 =	vld [tilespmem:s30+$0x0]  }
0x197: {  	[tilespmem:s24+$0x0] =	vst v4  }
0x198: {  	[tilespmem:s4+$0x0] =	vst v3  }
0x199: {  	[tilespmem:s17+$0x0] =	vst v6  }
0x19a: {  	[tilespmem:s31+$0x0] =	vst v2  }
0x19b: {  	[tilespmem:s13+$0x0] =	vst v5  }
0x19c: {  	v2 =	vld.msk [tilespmem:$0x18], $0xff;
	_ =	sdelay $0x4  }
0x19d: {  	v2 =	vshll.u32 v2, $0xC  }
0x19e: {  	v2 =	vperm.xlane v2, v0  }
0x19f: {  	s11 =	rddreg [dreg:$0x1]  }
0x1a0: {  	s13 =	rddreg [dreg:$0xa]  }
0x1a1: {  	s20 =	sld [smem:$0x7E2]  }
0x1a2: {  	s0 =	simm.s32 $0x0;
	s21 =	sld [smem:$0x7E3]  }
0x1a3: {  	s12 =	simm.s32 $0x14080;
	s18 =	simm.s32 $0x80000;
	s22 =	sld [smem:$0x7E4]  }
0x1a4: {  	[tilespmem:s12], [sflag:$0x1] =	stream.indirect_vreg.gather [hbm4b:s11+s0], $0x1000, v2, vm0, $0x38;
	[tilespmem:$0x1D080] =	vst v63  }
0x1a5: {  	s19 =	simm.s32 $0x80;
	s17 =	simm.s32 $0x1000;
	s24 =	sld [smem:$0x7E5]  }
0x1a6: {  	[hbm4b:s13+s17] =	stream.strided.scatter [tilespmem:s19], [sflag:$0x2], $0x10000, s18, s17, $0x38;
	[tilespmem:$0x1D080] =	vst v63  }
0x1a7: {  	s25 =	sld [smem:$0x7E6]  }
0x1a8: {  	[hbm4b:s20+s0] =	stream.linear.scatter [tilespmem:s15], [sflag:$0x3], $0x4000, $0x38;
	[tilespmem:$0x1D080] =	vst v63  }
0x1a9: {  	s26 =	sld [smem:$0x7E7]  }
0x1aa: {  	[hbm4b:s21+s0] =	stream.linear.scatter [tilespmem:s15], [sflag:$0x3], $0x4000, $0x38;
	[tilespmem:$0x1D080] =	vst v63  }
0x1ab: {  	s2 =	sld [smem:$0x7E8]  }
0x1ac: {  	[hbm4b:s22+s0] =	stream.linear.scatter [tilespmem:s15], [sflag:$0x3], $0x4000, $0x38;
	[tilespmem:$0x1D080] =	vst v63  }
0x1ad: {  	s3 =	sld [smem:$0x7E9]  }
0x1ae: {  	[hbm4b:s24+s0] =	stream.linear.scatter [tilespmem:s15], [sflag:$0x3], $0x4000, $0x38;
	[tilespmem:$0x1D080] =	vst v63  }
0x1af: {  	s4 =	sld [smem:$0x7EA]  }
0x1b0: {  	[hbm4b:s25+s0] =	stream.linear.scatter [tilespmem:s15], [sflag:$0x3], $0x4000, $0x38;
	[tilespmem:$0x1D080] =	vst v63  }
0x1b1: {  	s5 =	sld [smem:$0x7EB]  }
0x1b2: {  	[hbm4b:s26+s0] =	stream.linear.scatter [tilespmem:s15], [sflag:$0x3], $0x4000, $0x38;
	[tilespmem:$0x1D080] =	vst v63  }
0x1b3: {  	s8 =	sld [smem:$0x7EC]  }
0x1b4: {  	[hbm4b:s2+s0] =	stream.linear.scatter [tilespmem:s15], [sflag:$0x3], $0x4000, $0x38;
	[tilespmem:$0x1D080] =	vst v63  }
0x1b5: {  	s9 =	sld [smem:$0x7ED]  }
0x1b6: {  	[hbm4b:s3+s0] =	stream.linear.scatter [tilespmem:s15], [sflag:$0x3], $0x4000, $0x38;
	[tilespmem:$0x1D080] =	vst v63  }
0x1b7: {  	s11 =	sld [smem:$0x7EE];
	s13 =	simm.s32 $0x0  }
0x1b8: {  	[hbm4b:s4+s0] =	stream.linear.scatter [tilespmem:s15], [sflag:$0x3], $0x4000, $0x38;
	[tilespmem:$0x1D080] =	vst v63  }
0x1b9: {  	s12 =	sld [smem:$0x7EF];
	s17 =	sand.u32 $0xC00, s0;
	s1 =	sand.u32 $0x3, s13  }
0x1ba: {  	[hbm4b:s5+s0] =	stream.linear.scatter [tilespmem:s15], [sflag:$0x3], $0x4000, $0x38;
	[tilespmem:$0x1D080] =	vst v63  }
0x1bb: {  	s20 =	simm.s32 $0x0;
	s21 =	sor.u32 $0x14080, s17;
	s5 =	sshll.u32 s1, $0x7  }
0x1bc: {  	[hbm4b:s8+s0] =	stream.linear.scatter [tilespmem:s15], [sflag:$0x3], $0x4000, $0x38;
	[tilespmem:$0x1D080] =	vst v63  }
0x1bd: {  	s3 =	sand.u32 $0x380, s20;
	s5 =	sadd.s32 s5, s21;
	s8 =	sand.u32 $0x40, s0  }
0x1be: {  	[hbm4b:s9+s0] =	stream.linear.scatter [tilespmem:s15], [sflag:$0x3], $0x4000, $0x38;
	[tilespmem:$0x1D080] =	vst v63  }
0x1bf: {  	s25 =	sor.u32 $0x10, s8;
	s9 =	sshll.u32 s1, $0xC;
	s1 =	sor.u32 $0x4, s1  }
0x1c0: {  	s9 =	sor.u32 s17, s9;
	s19 =	sshll.u32 s1, $0xC;
	s1 =	sshll.u32 s1, $0x7  }
0x1c1: {  	[hbm4b:s11+s0] =	stream.linear.scatter [tilespmem:s15], [sflag:$0x3], $0x4000, $0x38;
	[tilespmem:$0x1D080] =	vst v63  }
0x1c2: {  	s11 =	sor.u32 $0x20, s8;
	s2 =	sor.u32 s17, s19;
	s1 =	sadd.s32 s1, s21  }
0x1c3: {  	[hbm4b:s12+s0] =	stream.linear.scatter [tilespmem:s15], [sflag:$0x3], $0x4000, $0x38;
	[tilespmem:$0x1D080] =	vst v63  }
0x1c4: {  	s26 =	sor.u32 s3, s9;
	s2 =	sor.u32 s2, s3;
	s0 =	sand.u32 $0x7000, s0  }
0x1c5: {  	s12 =	sor.u32 $0x30, s8;
	s2 =	sadd.s32 $0x80, s2;
	_ =	swait.ge [sflag:s16], $0x8000  }
0x1c6: {  	s5 =	sadd.s32 s0, s5;
	s0 =	sadd.s32 s0, s1;
	s9 =	sor.u32 s25, s2  }
0x1c7: {  	s19 =	sor.u32 s11, s2;
	s1 =	sadd.s32 $0xB080, s26;
	s26 =	simm.s32 $0x40  }
0x1c8: {  	[sflag:s16] =	ssyncset.done $0x0;
	s22 =	sor.u32 s8, s5;
	s18 =	sor.u32 s25, s5  }
0x1c9: {  	s20 =	sor.u32 s12, s5;
	s4 =	sor.u32 s11, s5;
	[sflag:s16] =	ssyncadd.s32 $0xFFFF8000  }
0x1ca: {  	s3 =	sor.u32 s8, s0;
	s5 =	sor.u32 s8, s2;
	_ =	swait.ge [sflag:s14], $0x10000  }
0x1cb: {  	s21 =	sor.u32 s25, s0;
	s2 =	sor.u32 s12, s2;
	[sflag:s14] =	ssyncset.done $0x0  }
0x1cc: {  	s8 =	sor.u32 s8, s1;
	s17 =	sor.u32 s25, s1;
	[sflag:s14] =	ssyncadd.s32 $0xFFFF0000  }
0x1cd: {  	s24 =	sor.u32 s11, s1;
	s13 =	sor.u32 s11, s0;
	s11 =	simm.s32 $0x4;
	v2 =	vld [tilespmem:s22+$0x0]  }
0x1ce: {  	s25 =	simm.s32 $0x80;
	s29 =	sand.u32 $0x40, s26;
	s22 =	sor.u32 s12, s0;
	v3 =	vld [tilespmem:s18+$0x0]  }
0x1cf: {  	s0 =	sor.u32 s12, s1;
	s12 =	simm.s32 $0x200;
	s1 =	simm.s32 $0x0;
	v4 =	vld [tilespmem:s20+$0x0]  }
0x1d0: {  	s20 =	sand.u32 $0x7000, s25;
	s18 =	sand.u32 $0xC00, s12;
	s1 =	sand.u32 $0x3, s1  }
0x1d1: {  	v5 =	vld [tilespmem:s4+$0x0];
	s28 =	sor.u32 $0x14080, s18;
	s30 =	sshll.u32 s1, $0x7;
	s31 =	sshll.u32 s1, $0xC  }
0x1d2: {  	s1 =	sor.u32 $0x4, s1;
	s4 =	sadd.s32 s30, s28;
	[tilespmem:s5+$0x0] =	vst v2;
	s5 =	sor.u32 $0x20, s29  }
0x1d3: {  	[tilespmem:s9+$0x0] =	vst v3;
	s9 =	sshll.u32 s1, $0xC;
	s1 =	sshll.u32 s1, $0x7;
	v2 =	vld [tilespmem:s3+$0x0];
	s3 =	sadd.s32 s20, s4  }
0x1d4: {  	[tilespmem:s2+$0x0] =	vst v4;
	s2 =	sand.u32 $0x380, s11;
	s4 =	sor.u32 s18, s31;
	v3 =	vld [tilespmem:s21+$0x0];
	s21 =	sor.u32 s29, s3  }
0x1d5: {  	s9 =	sor.u32 s18, s9;
	s18 =	sor.u32 $0x30, s29;
	s1 =	sadd.s32 s1, s28;
	v6 =	vld [tilespmem:s21+$0x0]  }
0x1d6: {  	[tilespmem:s19+$0x0] =	vst v5;
	v5 =	vld [tilespmem:s22+$0x0];
	s20 =	sadd.s32 s20, s1;
	s9 =	sor.u32 s9, s2;
	s21 =	sor.u32 s5, s3  }
0x1d7: {  	s4 =	sor.u32 s2, s4;
	s30 =	sor.u32 s18, s20;
	v7 =	vld [tilespmem:s21+$0x0];
	s21 =	sor.u32 $0x10, s29  }
0x1d8: {  	v4 =	vld [tilespmem:s13+$0x0];
	s1 =	sor.u32 s21, s3;
	s3 =	sor.u32 s18, s3;
	[tilespmem:s8+$0x0] =	vst v2;
	s8 =	sadd.s32 $0x80, s9  }
0x1d9: {  	s9 =	sor.u32 s29, s20;
	[tilespmem:s17+$0x0] =	vst v3;
	v2 =	vld [tilespmem:s1+$0x0];
	s1 =	sor.u32 s21, s20;
	s22 =	sor.u32 s29, s8  }
0x1da: {  	s2 =	sor.u32 s21, s8;
	s19 =	sor.u32 s5, s8;
	[tilespmem:s22+$0x0] =	vst v6;
	s22 =	sadd.s32 $0xB080, s4  }
0x1db: {  	[tilespmem:s0+$0x0] =	vst v5;
	s28 =	sor.u32 s18, s8;
	s4 =	sor.u32 s29, s22;
	s31 =	sor.u32 s21, s22;
	v3 =	vld [tilespmem:s9+$0x0]  }
0x1dc: {  	[tilespmem:s19+$0x0] =	vst v7;
	s17 =	sor.u32 s5, s22;
	s29 =	sor.u32 s5, s20;
	s13 =	sor.u32 s18, s22  }
.LBB2_12:
0x1dd: {  	s11 =	sadd.s32 $0x4, s11;
	s25 =	sadd.s32 $0x80, s25;
	[tilespmem:s24+$0x0] =	vst v4;
	s24 =	smov.u32 s17  }
0x1de: {  	s26 =	sadd.s32 $0x40, s26;
	s12 =	sadd.s32 $0x200, s12;
	s0 =	sshrl.u32 s11, $0x5;
	[tilespmem:s2+$0x0] =	vst v2  }
0x1df: {  	s5 =	sand.u32 $0x40, s26;
	s2 =	sand.u32 $0xC00, s12;
	s0 =	sand.u32 $0x3, s0;
	v2 =	vld [tilespmem:s1+$0x0]  }
0x1e0: {  	s1 =	sor.u32 $0x14080, s2;
	s8 =	sshll.u32 s0, $0x7;
	s9 =	sshll.u32 s0, $0xC;
	[tilespmem:s4+$0x0] =	vst v3  }
0x1e1: {  	s18 =	sor.u32 $0x20, s5;
	s4 =	sand.u32 $0x7000, s25;
	s8 =	sadd.s32 s8, s1;
	v3 =	vld [tilespmem:s3+$0x0]  }
0x1e2: {  	s19 =	sor.u32 $0x30, s5;
	s0 =	sor.u32 $0x4, s0;
	s8 =	sadd.s32 s4, s8  }
0x1e3: {  	s17 =	sand.u32 $0x380, s11;
	s20 =	sor.u32 $0x10, s5;
	s3 =	sor.u32 s5, s8  }
0x1e4: {  	s9 =	sor.u32 s2, s9;
	s21 =	sor.u32 s20, s8;
	v5 =	vld [tilespmem:s3+$0x0];
	s3 =	sor.u32 s19, s8;
	[tilespmem:s31+$0x0] =	vst v2  }
0x1e5: {  	s22 =	sshll.u32 s0, $0xC;
	s0 =	sshll.u32 s0, $0x7;
	s8 =	sor.u32 s18, s8;
	v2 =	vld [tilespmem:s21+$0x0]  }
0x1e6: {  	s2 =	sor.u32 s2, s22;
	s0 =	sadd.s32 s0, s1;
	s1 =	sor.u32 s17, s9;
	v6 =	vld [tilespmem:s8+$0x0];
	[tilespmem:s28+$0x0] =	vst v3  }
0x1e7: {  	p0 =	slt.u32 s11, $0x3FC;
	s2 =	sor.u32 s2, s17;
	s0 =	sadd.s32 s4, s0;
	v7 =	vld [tilespmem:s30+$0x0]  }
.Ltmp5:
0x1e8: {  	s4 =	sadd.s32 $0x80, s2;
	s8 =	sor.u32 s5, s0;
	v4 =	vld [tilespmem:s29+$0x0];
	(pc) =	sbr.rel @p0 .LBB2_12-.Ltmp5, $4  }
0x1e9: {  	s9 =	sor.u32 s5, s4;
	s2 =	sor.u32 s20, s4;
	s17 =	sor.u32 s18, s4  }
0x1ea: {  	s28 =	sor.u32 s19, s4;
	[tilespmem:s9+$0x0] =	vst v5;
	s9 =	sadd.s32 $0xB080, s1;
	s1 =	sor.u32 s20, s0  }
0x1eb: {  	v3 =	vld [tilespmem:s8+$0x0];
	s4 =	sor.u32 s5, s9;
	s31 =	sor.u32 s20, s9;
	[tilespmem:s17+$0x0] =	vst v6;
	s17 =	sor.u32 s18, s9  }
0x1ec: {  	s30 =	sor.u32 s19, s0;
	s29 =	sor.u32 s18, s0;
	[tilespmem:s13+$0x0] =	vst v7;
	s13 =	sor.u32 s19, s9  }
0x1ed: {  	v5 =	vld [tilespmem:s3+$0x0];
	_ =	sdelay $0x3  }
0x1ee: {  	[tilespmem:s2+$0x0] =	vst v2;
	v6 =	vld [tilespmem:s29+$0x0]  }
0x1ef: {  	v2 =	vld [tilespmem:s1+$0x0];
	[tilespmem:s28+$0x0] =	vst v5  }
0x1f0: {  	v5 =	vld [tilespmem:s30+$0x0]  }
0x1f1: {  	[tilespmem:s24+$0x0] =	vst v4  }
0x1f2: {  	[tilespmem:s4+$0x0] =	vst v3  }
0x1f3: {  	[tilespmem:s17+$0x0] =	vst v6  }
0x1f4: {  	[tilespmem:s31+$0x0] =	vst v2  }
0x1f5: {  	[tilespmem:s13+$0x0] =	vst v5  }
0x1f6: {  	s9 =	simm.s32 $0x1000;
	s0 =	rddreg [dreg:$0xb]  }
0x1f7: {  	s11 =	simm.s32 $0x80000;
	s12 =	simm.s32 $0x80;
	s13 =	sld [smem:$0x7F0]  }
0x1f8: {  	[hbm4b:s0+s9] =	stream.strided.scatter [tilespmem:s12], [sflag:$0x2], $0x10000, s11, s9, $0x38;
	[tilespmem:$0x1D080] =	vst v63  }
0x1f9: {  	s17 =	sld [smem:$0x7F1]  }
0x1fa: {  	[hbm4b:s13+s6] =	stream.linear.scatter [tilespmem:s15], [sflag:$0x3], $0x4000, $0x38;
	[tilespmem:$0x1D080] =	vst v63  }
0x1fb: {  	s18 =	sld [smem:$0x7F2]  }
0x1fc: {  	[hbm4b:s17+s6] =	stream.linear.scatter [tilespmem:s15], [sflag:$0x3], $0x4000, $0x38;
	[tilespmem:$0x1D080] =	vst v63  }
0x1fd: {  	s19 =	sld [smem:$0x7F3]  }
0x1fe: {  	[hbm4b:s18+s6] =	stream.linear.scatter [tilespmem:s15], [sflag:$0x3], $0x4000, $0x38;
	[tilespmem:$0x1D080] =	vst v63  }
0x1ff: {  	s20 =	sld [smem:$0x7F4]  }
0x200: {  	[hbm4b:s19+s6] =	stream.linear.scatter [tilespmem:s15], [sflag:$0x3], $0x4000, $0x38;
	[tilespmem:$0x1D080] =	vst v63  }
0x201: {  	s21 =	sld [smem:$0x7F5]  }
0x202: {  	[hbm4b:s20+s6] =	stream.linear.scatter [tilespmem:s15], [sflag:$0x3], $0x4000, $0x38;
	[tilespmem:$0x1D080] =	vst v63  }
0x203: {  	s22 =	sld [smem:$0x7F6]  }
0x204: {  	[hbm4b:s21+s6] =	stream.linear.scatter [tilespmem:s15], [sflag:$0x3], $0x4000, $0x38;
	[tilespmem:$0x1D080] =	vst v63  }
0x205: {  	s24 =	sld [smem:$0x7F7]  }
0x206: {  	[hbm4b:s22+s6] =	stream.linear.scatter [tilespmem:s15], [sflag:$0x3], $0x4000, $0x38;
	[tilespmem:$0x1D080] =	vst v63  }
0x207: {  	s25 =	sld [smem:$0x7F8]  }
0x208: {  	[hbm4b:s24+s6] =	stream.linear.scatter [tilespmem:s15], [sflag:$0x3], $0x4000, $0x38;
	[tilespmem:$0x1D080] =	vst v63  }
0x209: {  	s26 =	sld [smem:$0x7F9]  }
0x20a: {  	[hbm4b:s25+s6] =	stream.linear.scatter [tilespmem:s15], [sflag:$0x3], $0x4000, $0x38;
	[tilespmem:$0x1D080] =	vst v63  }
0x20b: {  	s28 =	sld [smem:$0x7FA]  }
0x20c: {  	[hbm4b:s26+s6] =	stream.linear.scatter [tilespmem:s15], [sflag:$0x3], $0x4000, $0x38;
	[tilespmem:$0x1D080] =	vst v63  }
0x20d: {  	s29 =	sld [smem:$0x7FB]  }
0x20e: {  	[hbm4b:s28+s6] =	stream.linear.scatter [tilespmem:s15], [sflag:$0x3], $0x4000, $0x38;
	[tilespmem:$0x1D080] =	vst v63  }
0x20f: {  	s30 =	sld [smem:$0x7FC]  }
0x210: {  	[hbm4b:s29+s6] =	stream.linear.scatter [tilespmem:s15], [sflag:$0x3], $0x4000, $0x38;
	[tilespmem:$0x1D080] =	vst v63  }
0x211: {  	s31 =	sld [smem:$0x7FD]  }
0x212: {  	[hbm4b:s30+s6] =	stream.linear.scatter [tilespmem:s15], [sflag:$0x3], $0x4000, $0x38;
	[tilespmem:$0x1D080] =	vst v63  }
0x213: {  	_ = 	snop  }
0x214: {  	[hbm4b:s31+s6] =	stream.linear.scatter [tilespmem:s15], [sflag:$0x3], $0x4000, $0x38;
	[tilespmem:$0x1D080] =	vst v63  }
0x215: {  	_ =	swait.ge [sflag:s14], $0x10000  }
0x216: {  	[sflag:s14] =	ssyncset.done $0x0  }
0x217: {  	[sflag:s14] =	ssyncadd.s32 $0xFFFF0000  }
0x218: {  	_ =	swait.ge [sflag:s23], $0x4000  }
0x219: {  	s0 =	simm.s32 $0x3C;
	[sflag:s23] =	ssyncset.done $0x0  }
.LBB2_14:
0x21a: {  	p0 =	sne.s32 s0, $0x1;
	s0 =	sadd.s32 $0xFFFFFFFF, s0;
	[sflag:s23] =	ssyncadd.s32 $0xFFFFC000  }
.Ltmp6:
0x21b: {  	(pc) =	sbr.rel @p0 .LBB2_14-.Ltmp6, $3  }
0x21c: {  	_ =	sdelay $0x1  }
0x21d: {  	_ =	swait.ge [sflag:s23], $0x4000  }
0x21e: {  	[sflag:s23] =	ssyncset.done $0x0  }
0x21f: {  	s10 =	sadd.s32 $0x1, s10;
	s0 =	rddreg [dreg:$0xc]  }
0x220: {  	p0 =	sne.s32 s10, s0  }
.Ltmp7:
0x221: {  	_ = 	snop;
	(pc) =	sbr.rel @p0 .LBB2_1-.Ltmp7, $2  }
0x222: {  	_ =	sdelay $0x2  }
0x223: {  	[sflag:s23] =	ssyncadd.s32 $0xFFFFC000  }
0x224: {  	_ =	sfence.sel $0x180000  }
0x225: {  	[bflag:$0x0] =	sbarrier.arrive $0xFFFF  }
0x226: {  	_ =	strace $0x90000047  }
0x227: {  	s0 =	stileid.u32;
	[bflag:$0x2] =	sbarrier.arrive $0xFFFF  }
0x228: {  	p0 =	sne.s32 s0, $0x0;
	s0 =	rddreg [dreg:$0x6]  }
0x229: {  	s0 =	sadd.s32 @!p0 $0x100000, s0  }
0x22a: {  	[sflag:s0] =	ssyncadd.tile.s32 @!p0 $0x1;
	_ =	shalt  }
.Lfunc_end2:
_tile_overlayer_lowered:
.L_overlay_start_2:
0x22b: {  	(tag) =	ssettag $0x2  }
0x22c: {  	s0 =	rddreg [dreg:$0x0];
	s2 =	stileid.u32  }
0x22d: {  	s1 =	rddreg [dreg:$0x1];
	p0 =	sne.s32 s2, $0x0  }
0x22e: {  	s3 =	rddreg [dreg:$0x2];
	[bflag:$0x3] =	sbarrier.arrive $0xFFFF;
	s2 =	simm.s32 @!p0 $0x1C04  }
0x22f: {  	[timem:s3], [sflag:s2] =	dma.local @!p0 [hbm:s0], s1  }
0x230: {  	s0 =	simm.s32 @!p0 $0x4  }
0x231: {  	_ =	swait.ge @!p0 [sflag:s0], s1  }
0x232: {  	s1 =	ssub.s32 @!p0 $0x0, s1;
	[sflag:s0] =	ssyncset.done @!p0 $0x0  }
0x233: {  	[sflag:s0] =	ssyncadd.s32 @!p0 s1  }
0x234: {  	[bflag:$0x3] =	sbarrier.arrive $0xFFFF  }
0x235: {  	_ =	shalt  }

</sc_bundles>
